<compile_context>
chip_gen: v7x
topology: tpu7x:2x2x1
jax: 0.10.2.dev20260603
libtpu: 0.0.44.dev20260713+nightly
codegen_flags: <defaults>
</compile_context>

<pallas_src>
import functools

import jax
import jax.numpy as jnp
from jax import lax
from jax.experimental import pallas as pl
from jax.experimental.pallas import tpu as pltpu
from jax.experimental.pallas import tpu_sc as plsc

_N = 10000
_D = 128
_HID = 128
_NCLS = 16
_E = 320000

_NTILES = 16
_NCORES = 2

_NPAD = 10240
_NODES_PER_TILE = _NPAD // _NTILES
_EDGES_FULL_PER_TILE = _E // _NTILES
_EDGES_HALF_PER_TILE = _E // (_NTILES * _NCORES)

_VL = 16


def _fill(ref, n, value, dtype):
    def body(i, _):
        ref[pl.ds(i * _VL, _VL)] = jnp.full((_VL,), value, dtype)
        return 0
    lax.fori_loop(0, n // _VL, body, 0)


def _tree_reduce_slice(acc_v, tmp_v, sh, off):
    pltpu.sync_copy(sh.at[pl.ds(off, _NODES_PER_TILE)],
                    acc_v.at[pl.ds(0, _NODES_PER_TILE)])

    def rbody(k, _):
        pltpu.sync_copy(sh.at[pl.ds(k * _NPAD + off, _NODES_PER_TILE)], tmp_v)

        def abody(i, _):
            sl = pl.ds(i * _VL, _VL)
            acc_v[sl] = acc_v[sl] + tmp_v[sl]
            return 0

        lax.fori_loop(0, _NODES_PER_TILE // _VL, abody, 0)
        return 0

    lax.fori_loop(1, _NTILES, rbody, 0)


def _deg_body(send_hbm, recv_hbm, deg_out, idx_v, hist_v, red_v, hist_sh):
    c = lax.axis_index("c")
    s = lax.axis_index("s")
    base = s * _EDGES_FULL_PER_TILE

    @pl.when(c == 0)
    def _():
        pltpu.sync_copy(send_hbm.at[pl.ds(base, _EDGES_FULL_PER_TILE)], idx_v)

    @pl.when(c == 1)
    def _():
        pltpu.sync_copy(recv_hbm.at[pl.ds(base, _EDGES_FULL_PER_TILE)], idx_v)

    _fill(hist_v, _NPAD, 0, jnp.int32)
    ones16 = jnp.ones((_VL,), jnp.int32)

    def hbody(i, _):
        ii = idx_v[pl.ds(i * _VL, _VL)]
        plsc.addupdate_scatter(hist_v, [ii], ones16)
        return 0

    lax.fori_loop(0, _EDGES_FULL_PER_TILE // _VL, hbody, 0)
    pltpu.sync_copy(hist_v, hist_sh.at[pl.ds(s * _NPAD, _NPAD)])
    plsc.subcore_barrier()
    off = s * _NODES_PER_TILE
    _tree_reduce_slice(hist_v, red_v, hist_sh, off)
    pltpu.sync_copy(hist_v.at[pl.ds(0, _NODES_PER_TILE)],
                    deg_out.at[c, pl.ds(off, _NODES_PER_TILE)])


_deg_call = functools.partial(
    pl.kernel,
    out_type=jax.ShapeDtypeStruct((_NCORES, _NPAD), jnp.int32),
    mesh=plsc.VectorSubcoreMesh(core_axis_name="c", subcore_axis_name="s"),
    compiler_params=pltpu.CompilerParams(needs_layout_passes=False),
    scratch_types=[
        pltpu.VMEM((_EDGES_FULL_PER_TILE,), jnp.int32),
        pltpu.VMEM((_NPAD,), jnp.int32),
        pltpu.VMEM((_NODES_PER_TILE,), jnp.int32),
        pltpu.VMEM_SHARED((_NTILES * _NPAD,), jnp.int32),
    ],
)(_deg_body)


def _seg_body(send_hbm, recv_hbm, t_hbm, r_out, sidx_v, ridx_v, t_v, r_v,
              red_v, t_sh, r_sh):
    c = lax.axis_index("c")
    s = lax.axis_index("s")
    off = s * _NODES_PER_TILE
    pltpu.sync_copy(t_hbm.at[pl.ds(off, _NODES_PER_TILE)],
                    t_sh.at[pl.ds(off, _NODES_PER_TILE)])

    base = (c * _NTILES + s) * _EDGES_HALF_PER_TILE
    pltpu.sync_copy(send_hbm.at[pl.ds(base, _EDGES_HALF_PER_TILE)], sidx_v)
    pltpu.sync_copy(recv_hbm.at[pl.ds(base, _EDGES_HALF_PER_TILE)], ridx_v)
    _fill(r_v, _NPAD, 0.0, jnp.float32)
    plsc.subcore_barrier()
    pltpu.sync_copy(t_sh.at[pl.ds(0, _NPAD)], t_v)

    def ebody(i, _):
        sl = pl.ds(i * _VL, _VL)
        vals = plsc.load_gather(t_v, [sidx_v[sl]])
        plsc.addupdate_scatter(r_v, [ridx_v[sl]], vals)
        return 0

    lax.fori_loop(0, _EDGES_HALF_PER_TILE // _VL, ebody, 0)
    pltpu.sync_copy(r_v, r_sh.at[pl.ds(s * _NPAD, _NPAD)])
    plsc.subcore_barrier()
    _tree_reduce_slice(r_v, red_v, r_sh, off)
    pltpu.sync_copy(r_v.at[pl.ds(0, _NODES_PER_TILE)],
                    r_out.at[c, pl.ds(off, _NODES_PER_TILE)])


_seg_call = functools.partial(
    pl.kernel,
    out_type=jax.ShapeDtypeStruct((_NCORES, _NPAD), jnp.float32),
    mesh=plsc.VectorSubcoreMesh(core_axis_name="c", subcore_axis_name="s"),
    compiler_params=pltpu.CompilerParams(needs_layout_passes=False),
    scratch_types=[
        pltpu.VMEM((_EDGES_HALF_PER_TILE,), jnp.int32),
        pltpu.VMEM((_EDGES_HALF_PER_TILE,), jnp.int32),
        pltpu.VMEM((_NPAD,), jnp.float32),
        pltpu.VMEM((_NPAD,), jnp.float32),
        pltpu.VMEM((_NODES_PER_TILE,), jnp.float32),
        pltpu.VMEM_SHARED((_NPAD,), jnp.float32),
        pltpu.VMEM_SHARED((_NTILES * _NPAD,), jnp.float32),
    ],
)(_seg_body)


_BN = 1024


def _u_body(x_ref, w1_ref, b1_ref, w2_ref, b2_ref, deg_ref, out_ref):
    a = jnp.dot(x_ref[...], w1_ref[...], preferred_element_type=jnp.float32)
    a = jnp.maximum(a + b1_ref[...][None, :], 0.0)
    h = jnp.dot(a, w2_ref[...], preferred_element_type=jnp.float32)
    u = jnp.sum(h, axis=1) + jnp.sum(b2_ref[...])
    out_ref[...] = u * lax.rsqrt(deg_ref[0, :].astype(jnp.float32) + 1.0)


def _u_call(x, W1, b1, W2, b2, degs):
    grid = _NPAD // _BN
    return pl.pallas_call(
        _u_body,
        grid=(grid,),
        in_specs=[
            pl.BlockSpec((_BN, _D), lambda i: (i, 0)),
            pl.BlockSpec((_D, _HID), lambda i: (0, 0)),
            pl.BlockSpec((_HID,), lambda i: (0,)),
            pl.BlockSpec((_HID, _HID), lambda i: (0, 0)),
            pl.BlockSpec((_HID,), lambda i: (0,)),
            pl.BlockSpec((_NCORES, _BN), lambda i: (0, i)),
        ],
        out_specs=pl.BlockSpec((_BN,), lambda i: (i,)),
        out_shape=jax.ShapeDtypeStruct((_NPAD,), jnp.float32),
    )(x, W1, b1, W2, b2, degs)


def _final_body(rp_ref, t_ref, deg_ref, w3_ref, b3_ref, w4_ref, b4_ref,
                out_ref, acc_ref):
    i = pl.program_id(0)
    base = i * _BN
    r = rp_ref[0, :] + rp_ref[1, :]
    rt = (r + t_ref[...]) * lax.rsqrt(deg_ref[1, :].astype(jnp.float32) + 1.0)
    col = lax.broadcasted_iota(jnp.int32, (_BN,), 0) + base
    mnf = jnp.where(col < _N, rt * (1.0 / _N), 0.0)[None, :]
    row = lax.broadcasted_iota(jnp.int32, (_BN, 1), 0) + base
    w3 = jnp.where(row < _N, w3_ref[...], 0.0)
    part = jnp.dot(mnf, w3, preferred_element_type=jnp.float32)

    @pl.when(i == 0)
    def _():
        acc_ref[...] = jnp.zeros_like(acc_ref)

    acc_ref[...] += part

    @pl.when(i == pl.num_programs(0) - 1)
    def _():
        z = jnp.maximum(acc_ref[...] + b3_ref[...][None, :], 0.0)
        out_ref[...] = (jnp.dot(z, w4_ref[...], preferred_element_type=jnp.float32)
                        + b4_ref[...][None, :])


def _final_call(r_parts, t, degs, W3, b3, W4, b4):
    grid = _NPAD // _BN
    return pl.pallas_call(
        _final_body,
        grid=(grid,),
        in_specs=[
            pl.BlockSpec((_NCORES, _BN), lambda i: (0, i)),
            pl.BlockSpec((_BN,), lambda i: (i,)),
            pl.BlockSpec((_NCORES, _BN), lambda i: (0, i)),
            pl.BlockSpec((_BN, _HID), lambda i: (i, 0)),
            pl.BlockSpec((_HID,), lambda i: (0,)),
            pl.BlockSpec((_HID, _NCLS), lambda i: (0, 0)),
            pl.BlockSpec((_NCLS,), lambda i: (0,)),
        ],
        out_specs=pl.BlockSpec((1, _NCLS), lambda i: (0, 0)),
        out_shape=jax.ShapeDtypeStruct((1, _NCLS), jnp.float32),
        scratch_shapes=[pltpu.VMEM((1, _HID), jnp.float32)],
    )(r_parts, t, degs, W3, b3, W4, b4)


def kernel(x, edge_index, W1, b1, W2, b2, W3, b3, W4, b4):
    senders = edge_index[0]
    receivers = edge_index[1]
    degs = _deg_call(senders, receivers)
    t = _u_call(x, W1, b1, W2, b2, degs)
    r_parts = _seg_call(senders, receivers, t)
    return _final_call(r_parts, t, degs, W3, b3, W4, b4)

# --- scband reference (transcript-rebuilt; emitter-appended) ---
"""Pipeline reference for scband-gcn-59407987638457 (READ-ONLY COPY).

The authoritative reference and input builder live on the scoring server;
editing this copy changes nothing except your own understanding.
"""

import jax, jax.numpy as jnp
import numpy as np

N = 10000
E = 320000
D = 128
HID = 128
NCLS = 16


def setup_inputs(seed: int = 0) -> dict:
    key = jax.random.key(seed)
    ks = jax.random.split(key, 12)
    x = jax.random.normal(ks[0], (N, D), dtype=jnp.float32)
    edge_index = jax.random.randint(ks[1], (2, E), 0, N, dtype=jnp.int32)
    s = 1.0 / np.sqrt(D)
    W1 = jax.random.uniform(ks[2], (D, HID), jnp.float32, -s, s)
    b1 = jnp.zeros((HID,), jnp.float32)
    s2 = 1.0 / np.sqrt(HID)
    W2 = jax.random.uniform(ks[3], (HID, HID), jnp.float32, -s2, s2)
    b2 = jnp.zeros((HID,), jnp.float32)
    # after graph mean-pool quirk, features have length N (sum over axis=1 -> [N], broadcast to [1, N])
    s3 = 1.0 / np.sqrt(N)
    W3 = jax.random.uniform(ks[4], (N, HID), jnp.float32, -s3, s3)
    b3 = jnp.zeros((HID,), jnp.float32)
    W4 = jax.random.uniform(ks[5], (HID, NCLS), jnp.float32, -s2, s2)
    b4 = jnp.zeros((NCLS,), jnp.float32)
    return {"x": x, "edge_index": edge_index, "W1": W1, "b1": b1, "W2": W2, "b2": b2, "W3": W3, "b3": b3, "W4": W4, "b4": b4}


def reference(x, edge_index, W1, b1, W2, b2, W3, b3, W4, b4):
    senders = edge_index[0]
    receivers = edge_index[1]
    # node_update_fn: MLP(hidden_dim, hidden_dim)
    h = jnp.maximum(x @ W1 + b1, 0.0) @ W2 + b2
    total_num_nodes = h.shape[0]
    # jraph.GraphConvolution with add_self_edges=True
    ar = jnp.arange(total_num_nodes, dtype=senders.dtype)
    conv_senders = jnp.concatenate([senders, ar], axis=0)
    conv_receivers = jnp.concatenate([receivers, ar], axis=0)
    # symmetric normalization
    sender_degree = jax.ops.segment_sum(jnp.ones_like(conv_senders, dtype=jnp.float32), conv_senders, total_num_nodes)
    receiver_degree = jax.ops.segment_sum(jnp.ones_like(conv_receivers, dtype=jnp.float32), conv_receivers, total_num_nodes)
    h = h * jax.lax.rsqrt(jnp.maximum(sender_degree, 1.0))[:, None]
    h = jax.ops.segment_sum(h[conv_senders], conv_receivers, total_num_nodes)
    h = h * jax.lax.rsqrt(jnp.maximum(receiver_degree, 1.0))[:, None]
    # mean pooling as written in the module (sum over feature axis, divide by n_node)
    n_node = jnp.array([total_num_nodes], dtype=jnp.float32)
    mean_node_features = jnp.sum(h, axis=1) / jnp.expand_dims(n_node, axis=-1)  # [1, N]
    # output_layer: MLP(hidden_dim, n_output_classes)
    logits = jnp.maximum(mean_node_features @ W3 + b3, 0.0) @ W4 + b4
    return logits

if __name__ == "__main__":
    import jax
    _d = setup_inputs()
    print(jax.jit(kernel)(*tuple(_d.values())))

</pallas_src>

<mosaic_0001>
#map = affine_map<(d0, d1) -> (0)>
#map1 = affine_map<(d0, d1) -> (0, 0)>
module attributes {stable_mosaic.version = 14 : i64} {
  func.func @_deg_body(%arg0: i32, %arg1: i32, %arg2: memref<320000xi32, #tpu.memory_space<hbm>>, %arg3: memref<320000xi32, #tpu.memory_space<hbm>>, %arg4: memref<2x10240xi32, #tpu.memory_space<hbm>>, %arg5: memref<20000xi32, #tpu.memory_space<vmem>>, %arg6: memref<10240xi32, #tpu.memory_space<vmem>>, %arg7: memref<640xi32, #tpu.memory_space<vmem>>, %arg8: memref<163840xi32, #tpu.memory_space<vmem_shared>>) attributes {dimension_semantics = [#tpu.dimension_semantics<core_parallel>, #tpu.dimension_semantics<subcore_parallel>], iteration_bounds = array<i64: 2, 16>, scalar_prefetch = 0 : i64, scratch_operands = 4 : i64, tpu.core_type = #tpu.core_type<sc_vector_subcore>, window_params = [{transform_indices = #map}, {transform_indices = #map}, {transform_indices = #map1}]} {
    %mul3A = arith.constant 20000 : i32
    %mul3A_0 = arith.muli %arg1, %mul3A : i32
    %eq3A = arith.constant 0 : i32
    %eq3A_1 = arith.cmpi eq, %arg0, %eq3A : i32
    %convert_element_type3A = arith.extui %eq3A_1 : i1 to i32
    %cond3A = arith.constant 0 : i32
    %cond3A_2 = arith.cmpi ne, %convert_element_type3A, %cond3A : i32
    scf.if %cond3A_2 {
      "tpu.region"() ({
        %run_scoped3A = tpu.sem_alloc : memref<!tpu.dma_semaphore, #tpu.memory_space<semaphore_mem>>
        %dma_start3A = tpu.memref_slice %arg2[%mul3A_0] : memref<320000xi32, #tpu.memory_space<hbm>> -> memref<20000xi32, #tpu.memory_space<hbm>>
        %dma_start3A_33 = tpu.memref_slice %arg2[%mul3A_0] : memref<320000xi32, #tpu.memory_space<hbm>> -> memref<20000xi32, #tpu.memory_space<hbm>>
        tpu.enqueue_dma source(%dma_start3A_33 : memref<20000xi32, #tpu.memory_space<hbm>>) target(%arg5 : memref<20000xi32, #tpu.memory_space<vmem>>) target_semaphore(%run_scoped3A : memref<!tpu.dma_semaphore, #tpu.memory_space<semaphore_mem>>)
        %dma_wait3A = tpu.memref_slice %arg2[%mul3A_0] : memref<320000xi32, #tpu.memory_space<hbm>> -> memref<20000xi32, #tpu.memory_space<hbm>>
        %dma_wait3A_34 = tpu.memref_slice %arg2[%mul3A_0] : memref<320000xi32, #tpu.memory_space<hbm>> -> memref<20000xi32, #tpu.memory_space<hbm>>
        tpu.wait_dma2 semaphore(%run_scoped3A : memref<!tpu.dma_semaphore, #tpu.memory_space<semaphore_mem>>) src(%dma_wait3A_34 : memref<20000xi32, #tpu.memory_space<hbm>>) dst(%arg5 : memref<20000xi32, #tpu.memory_space<vmem>>)
        tpu.yield
      }) : () -> ()
    } else {
    }
    %eq3A_3 = arith.constant 1 : i32
    %eq3A_4 = arith.cmpi eq, %arg0, %eq3A_3 : i32
    %convert_element_type3A_5 = arith.extui %eq3A_4 : i1 to i32
    %cond3A_6 = arith.constant 0 : i32
    %cond3A_7 = arith.cmpi ne, %convert_element_type3A_5, %cond3A_6 : i32
    scf.if %cond3A_7 {
      "tpu.region"() ({
        %run_scoped3A = tpu.sem_alloc : memref<!tpu.dma_semaphore, #tpu.memory_space<semaphore_mem>>
        %dma_start3A = tpu.memref_slice %arg3[%mul3A_0] : memref<320000xi32, #tpu.memory_space<hbm>> -> memref<20000xi32, #tpu.memory_space<hbm>>
        %dma_start3A_33 = tpu.memref_slice %arg3[%mul3A_0] : memref<320000xi32, #tpu.memory_space<hbm>> -> memref<20000xi32, #tpu.memory_space<hbm>>
        tpu.enqueue_dma source(%dma_start3A_33 : memref<20000xi32, #tpu.memory_space<hbm>>) target(%arg5 : memref<20000xi32, #tpu.memory_space<vmem>>) target_semaphore(%run_scoped3A : memref<!tpu.dma_semaphore, #tpu.memory_space<semaphore_mem>>)
        %dma_wait3A = tpu.memref_slice %arg3[%mul3A_0] : memref<320000xi32, #tpu.memory_space<hbm>> -> memref<20000xi32, #tpu.memory_space<hbm>>
        %dma_wait3A_34 = tpu.memref_slice %arg3[%mul3A_0] : memref<320000xi32, #tpu.memory_space<hbm>> -> memref<20000xi32, #tpu.memory_space<hbm>>
        tpu.wait_dma2 semaphore(%run_scoped3A : memref<!tpu.dma_semaphore, #tpu.memory_space<semaphore_mem>>) src(%dma_wait3A_34 : memref<20000xi32, #tpu.memory_space<hbm>>) dst(%arg5 : memref<20000xi32, #tpu.memory_space<vmem>>)
        tpu.yield
      }) : () -> ()
    } else {
    }
    %scan3A = arith.constant 0 : i32
    %scan3A_8 = arith.constant 0 : i32
    %scan3A_9 = arith.constant 640 : i32
    %scan3A_10 = arith.addi %scan3A_8, %scan3A_9 : i32
    %scan3A_11 = arith.constant 1 : i32
    %scan3A_12 = scf.for %scan3A_33 = %scan3A_8 to %scan3A_10 step %scan3A_11 iter_args(%scan3A_34 = %scan3A) -> (i32)  : i32 {
      %broadcast_in_dim3A_35 = arith.constant 0 : i32
      %broadcast_in_dim3A_36 = vector.broadcast %broadcast_in_dim3A_35 : i32 to vector<16xi32>
      %mul3A_37 = arith.constant 16 : i32
      %mul3A_38 = arith.muli %scan3A_33, %mul3A_37 : i32
      %swap3A = arith.index_cast %mul3A_38 : i32 to index
      %swap3A_39 = tpu.vector_load %arg6[%swap3A] {strides = array<i32>} : memref<10240xi32, #tpu.memory_space<vmem>>, vector<16xi32>,
      tpu.vector_store %arg6[%swap3A], %broadcast_in_dim3A_36 {strides = array<i32>} : memref<10240xi32, #tpu.memory_space<vmem>>, vector<16xi32>,
      %scan3A_40 = arith.constant 0 : i32
      scf.yield %scan3A_40 : i32
    }
    %scan3A_13 = arith.constant 640 : i32
    %broadcast_in_dim3A = arith.constant 1 : i32
    %broadcast_in_dim3A_14 = vector.broadcast %broadcast_in_dim3A : i32 to vector<16xi32>
    %scan3A_15 = arith.constant 0 : i32
    %scan3A_16 = arith.constant 0 : i32
    %scan3A_17 = arith.constant 1250 : i32
    %scan3A_18 = arith.addi %scan3A_16, %scan3A_17 : i32
    %scan3A_19 = arith.constant 1 : i32
    %scan3A_20 = scf.for %scan3A_33 = %scan3A_16 to %scan3A_18 step %scan3A_19 iter_args(%scan3A_34 = %scan3A_15) -> (i32)  : i32 {
      %mul3A_35 = arith.constant 16 : i32
      %mul3A_36 = arith.muli %scan3A_33, %mul3A_35 : i32
      %get3A = arith.index_cast %mul3A_36 : i32 to index
      %get3A_37 = tpu.vector_load %arg5[%get3A] {strides = array<i32>} : memref<20000xi32, #tpu.memory_space<vmem>>, vector<16xi32>,
      tpu.vector_store_idx %arg6[%get3A_37], %broadcast_in_dim3A_14 {add = true} : memref<10240xi32, #tpu.memory_space<vmem>>[vector<16xi32>], vector<16xi32>,
      %scan3A_38 = arith.constant 0 : i32
      scf.yield %scan3A_38 : i32
    }
    %scan3A_21 = arith.constant 1250 : i32
    %mul3A_22 = arith.constant 10240 : i32
    %mul3A_23 = arith.muli %arg1, %mul3A_22 : i32
    "tpu.region"() ({
      %run_scoped3A = tpu.sem_alloc : memref<!tpu.dma_semaphore, #tpu.memory_space<semaphore_mem>>
      %dma_start3A = tpu.memref_slice %arg8[%mul3A_23] : memref<163840xi32, #tpu.memory_space<vmem_shared>> -> memref<10240xi32, #tpu.memory_space<vmem_shared>>
      %dma_start3A_33 = tpu.memref_slice %arg8[%mul3A_23] : memref<163840xi32, #tpu.memory_space<vmem_shared>> -> memref<10240xi32, #tpu.memory_space<vmem_shared>>
      tpu.enqueue_dma source(%arg6 : memref<10240xi32, #tpu.memory_space<vmem>>) target(%dma_start3A_33 : memref<10240xi32, #tpu.memory_space<vmem_shared>>) target_semaphore(%run_scoped3A : memref<!tpu.dma_semaphore, #tpu.memory_space<semaphore_mem>>)
      %dma_wait3A = tpu.memref_slice %arg8[%mul3A_23] : memref<163840xi32, #tpu.memory_space<vmem_shared>> -> memref<10240xi32, #tpu.memory_space<vmem_shared>>
      %dma_wait3A_34 = tpu.memref_slice %arg8[%mul3A_23] : memref<163840xi32, #tpu.memory_space<vmem_shared>> -> memref<10240xi32, #tpu.memory_space<vmem_shared>>
      tpu.wait_dma2 semaphore(%run_scoped3A : memref<!tpu.dma_semaphore, #tpu.memory_space<semaphore_mem>>) src(%arg6 : memref<10240xi32, #tpu.memory_space<vmem>>) dst(%dma_wait3A_34 : memref<10240xi32, #tpu.memory_space<vmem_shared>>)
      tpu.yield
    }) : () -> ()
    %barrier3A = arith.constant 0 : index
    tpu.barrier barrier_id(%barrier3A)
    %mul3A_24 = arith.constant 640 : i32
    %mul3A_25 = arith.muli %arg1, %mul3A_24 : i32
    "tpu.region"() ({
      %run_scoped3A = tpu.sem_alloc : memref<!tpu.dma_semaphore, #tpu.memory_space<semaphore_mem>>
      %dma_start3A = arith.constant 0 : i32
      %dma_start3A_33 = tpu.memref_slice %arg6[%dma_start3A] : memref<10240xi32, #tpu.memory_space<vmem>> -> memref<640xi32, #tpu.memory_space<vmem>>
      %dma_start3A_34 = tpu.memref_slice %arg8[%mul3A_25] : memref<163840xi32, #tpu.memory_space<vmem_shared>> -> memref<640xi32, #tpu.memory_space<vmem_shared>>
      %dma_start3A_35 = arith.constant 0 : i32
      %dma_start3A_36 = tpu.memref_slice %arg6[%dma_start3A_35] : memref<10240xi32, #tpu.memory_space<vmem>> -> memref<640xi32, #tpu.memory_space<vmem>>
      %dma_start3A_37 = tpu.memref_slice %arg8[%mul3A_25] : memref<163840xi32, #tpu.memory_space<vmem_shared>> -> memref<640xi32, #tpu.memory_space<vmem_shared>>
      tpu.enqueue_dma source(%dma_start3A_37 : memref<640xi32, #tpu.memory_space<vmem_shared>>) target(%dma_start3A_36 : memref<640xi32, #tpu.memory_space<vmem>>) target_semaphore(%run_scoped3A : memref<!tpu.dma_semaphore, #tpu.memory_space<semaphore_mem>>)
      %dma_wait3A = arith.constant 0 : i32
      %dma_wait3A_38 = tpu.memref_slice %arg6[%dma_wait3A] : memref<10240xi32, #tpu.memory_space<vmem>> -> memref<640xi32, #tpu.memory_space<vmem>>
      %dma_wait3A_39 = tpu.memref_slice %arg8[%mul3A_25] : memref<163840xi32, #tpu.memory_space<vmem_shared>> -> memref<640xi32, #tpu.memory_space<vmem_shared>>
      %dma_wait3A_40 = arith.constant 0 : i32
      %dma_wait3A_41 = tpu.memref_slice %arg6[%dma_wait3A_40] : memref<10240xi32, #tpu.memory_space<vmem>> -> memref<640xi32, #tpu.memory_space<vmem>>
      %dma_wait3A_42 = tpu.memref_slice %arg8[%mul3A_25] : memref<163840xi32, #tpu.memory_space<vmem_shared>> -> memref<640xi32, #tpu.memory_space<vmem_shared>>
      tpu.wait_dma2 semaphore(%run_scoped3A : memref<!tpu.dma_semaphore, #tpu.memory_space<semaphore_mem>>) src(%dma_wait3A_42 : memref<640xi32, #tpu.memory_space<vmem_shared>>) dst(%dma_wait3A_41 : memref<640xi32, #tpu.memory_space<vmem>>)
      tpu.yield
    }) : () -> ()
    %scan3A_26 = arith.constant 0 : i32
    %scan3A_27 = arith.constant 1 : i32
    %scan3A_28 = arith.constant 15 : i32
    %scan3A_29 = arith.addi %scan3A_27, %scan3A_28 : i32
    %scan3A_30 = arith.constant 1 : i32
    %scan3A_31 = scf.for %scan3A_33 = %scan3A_27 to %scan3A_29 step %scan3A_30 iter_args(%scan3A_34 = %scan3A_26) -> (i32)  : i32 {
      %mul3A_35 = arith.constant 10240 : i32
      %mul3A_36 = arith.muli %scan3A_33, %mul3A_35 : i32
      %add3A = arith.addi %mul3A_36, %mul3A_25 : i32
      "tpu.region"() ({
        %run_scoped3A = tpu.sem_alloc : memref<!tpu.dma_semaphore, #tpu.memory_space<semaphore_mem>>
        %dma_start3A = tpu.memref_slice %arg8[%add3A] : memref<163840xi32, #tpu.memory_space<vmem_shared>> -> memref<640xi32, #tpu.memory_space<vmem_shared>>
        %dma_start3A_45 = tpu.memref_slice %arg8[%add3A] : memref<163840xi32, #tpu.memory_space<vmem_shared>> -> memref<640xi32, #tpu.memory_space<vmem_shared>>
        tpu.enqueue_dma source(%dma_start3A_45 : memref<640xi32, #tpu.memory_space<vmem_shared>>) target(%arg7 : memref<640xi32, #tpu.memory_space<vmem>>) target_semaphore(%run_scoped3A : memref<!tpu.dma_semaphore, #tpu.memory_space<semaphore_mem>>)
        %dma_wait3A = tpu.memref_slice %arg8[%add3A] : memref<163840xi32, #tpu.memory_space<vmem_shared>> -> memref<640xi32, #tpu.memory_space<vmem_shared>>
        %dma_wait3A_46 = tpu.memref_slice %arg8[%add3A] : memref<163840xi32, #tpu.memory_space<vmem_shared>> -> memref<640xi32, #tpu.memory_space<vmem_shared>>
        tpu.wait_dma2 semaphore(%run_scoped3A : memref<!tpu.dma_semaphore, #tpu.memory_space<semaphore_mem>>) src(%dma_wait3A_46 : memref<640xi32, #tpu.memory_space<vmem_shared>>) dst(%arg7 : memref<640xi32, #tpu.memory_space<vmem>>)
        tpu.yield
      }) : () -> ()
      %scan3A_37 = arith.constant 0 : i32
      %scan3A_38 = arith.constant 0 : i32
      %scan3A_39 = arith.constant 40 : i32
      %scan3A_40 = arith.addi %scan3A_38, %scan3A_39 : i32
      %scan3A_41 = arith.constant 1 : i32
      %scan3A_42 = scf.for %scan3A_45 = %scan3A_38 to %scan3A_40 step %scan3A_41 iter_args(%scan3A_46 = %scan3A_37) -> (i32)  : i32 {
        %mul3A_47 = arith.constant 16 : i32
        %mul3A_48 = arith.muli %scan3A_45, %mul3A_47 : i32
        %get3A = arith.index_cast %mul3A_48 : i32 to index
        %get3A_49 = tpu.vector_load %arg6[%get3A] {strides = array<i32>} : memref<10240xi32, #tpu.memory_space<vmem>>, vector<16xi32>,
        %get3A_50 = arith.index_cast %mul3A_48 : i32 to index
        %get3A_51 = tpu.vector_load %arg7[%get3A_50] {strides = array<i32>} : memref<640xi32, #tpu.memory_space<vmem>>, vector<16xi32>,
        %add3A_52 = arith.addi %get3A_49, %get3A_51 : vector<16xi32>
        %swap3A = arith.index_cast %mul3A_48 : i32 to index
        %swap3A_53 = tpu.vector_load %arg6[%swap3A] {strides = array<i32>} : memref<10240xi32, #tpu.memory_space<vmem>>, vector<16xi32>,
        tpu.vector_store %arg6[%swap3A], %add3A_52 {strides = array<i32>} : memref<10240xi32, #tpu.memory_space<vmem>>, vector<16xi32>,
        %scan3A_54 = arith.constant 0 : i32
        scf.yield %scan3A_54 : i32
      }
      %scan3A_43 = arith.constant 40 : i32
      %scan3A_44 = arith.constant 0 : i32
      scf.yield %scan3A_44 : i32
    }
    %scan3A_32 = arith.constant 15 : i32
    "tpu.region"() ({
      %run_scoped3A = tpu.sem_alloc : memref<!tpu.dma_semaphore, #tpu.memory_space<semaphore_mem>>
      %dma_start3A = arith.constant 0 : i32
      %dma_start3A_33 = tpu.memref_slice %arg6[%dma_start3A] : memref<10240xi32, #tpu.memory_space<vmem>> -> memref<640xi32, #tpu.memory_space<vmem>>
      %dma_start3A_34 = tpu.memref_slice %arg4[%arg0, %mul3A_25] : memref<2x10240xi32, #tpu.memory_space<hbm>> -> memref<1x640xi32, #tpu.memory_space<hbm>>
      %dma_start3A_35 = tpu.memref_squeeze %dma_start3A_34 : memref<1x640xi32, #tpu.memory_space<hbm>> -> memref<640xi32, #tpu.memory_space<hbm>>
      %dma_start3A_36 = tpu.memref_slice %arg4[%arg0, %mul3A_25] : memref<2x10240xi32, #tpu.memory_space<hbm>> -> memref<1x640xi32, #tpu.memory_space<hbm>>
      %dma_start3A_37 = tpu.memref_squeeze %dma_start3A_36 : memref<1x640xi32, #tpu.memory_space<hbm>> -> memref<640xi32, #tpu.memory_space<hbm>>
      %dma_start3A_38 = arith.constant 0 : i32
      %dma_start3A_39 = tpu.memref_slice %arg6[%dma_start3A_38] : memref<10240xi32, #tpu.memory_space<vmem>> -> memref<640xi32, #tpu.memory_space<vmem>>
      tpu.enqueue_dma source(%dma_start3A_39 : memref<640xi32, #tpu.memory_space<vmem>>) target(%dma_start3A_37 : memref<640xi32, #tpu.memory_space<hbm>>) target_semaphore(%run_scoped3A : memref<!tpu.dma_semaphore, #tpu.memory_space<semaphore_mem>>)
      %dma_wait3A = arith.constant 0 : i32
      %dma_wait3A_40 = tpu.memref_slice %arg6[%dma_wait3A] : memref<10240xi32, #tpu.memory_space<vmem>> -> memref<640xi32, #tpu.memory_space<vmem>>
      %dma_wait3A_41 = tpu.memref_slice %arg4[%arg0, %mul3A_25] : memref<2x10240xi32, #tpu.memory_space<hbm>> -> memref<1x640xi32, #tpu.memory_space<hbm>>
      %dma_wait3A_42 = tpu.memref_squeeze %dma_wait3A_41 : memref<1x640xi32, #tpu.memory_space<hbm>> -> memref<640xi32, #tpu.memory_space<hbm>>
      %dma_wait3A_43 = tpu.memref_slice %arg4[%arg0, %mul3A_25] : memref<2x10240xi32, #tpu.memory_space<hbm>> -> memref<1x640xi32, #tpu.memory_space<hbm>>
      %dma_wait3A_44 = tpu.memref_squeeze %dma_wait3A_43 : memref<1x640xi32, #tpu.memory_space<hbm>> -> memref<640xi32, #tpu.memory_space<hbm>>
      %dma_wait3A_45 = arith.constant 0 : i32
      %dma_wait3A_46 = tpu.memref_slice %arg6[%dma_wait3A_45] : memref<10240xi32, #tpu.memory_space<vmem>> -> memref<640xi32, #tpu.memory_space<vmem>>
      tpu.wait_dma2 semaphore(%run_scoped3A : memref<!tpu.dma_semaphore, #tpu.memory_space<semaphore_mem>>) src(%dma_wait3A_46 : memref<640xi32, #tpu.memory_space<vmem>>) dst(%dma_wait3A_44 : memref<640xi32, #tpu.memory_space<hbm>>)
      tpu.yield
    }) : () -> ()
    return
  }
}

#map = affine_map<(d0, d1) -> (0)>
#map1 = affine_map<(d0, d1) -> (0, 0)>
module attributes {stable_mosaic.version = 14 : i64} {
  func.func @_seg_body(%arg0: i32, %arg1: i32, %arg2: memref<320000xi32, #tpu.memory_space<hbm>>, %arg3: memref<320000xi32, #tpu.memory_space<hbm>>, %arg4: memref<10240xf32, #tpu.memory_space<hbm>>, %arg5: memref<2x10240xf32, #tpu.memory_space<hbm>>, %arg6: memref<10000xi32, #tpu.memory_space<vmem>>, %arg7: memref<10000xi32, #tpu.memory_space<vmem>>, %arg8: memref<10240xf32, #tpu.memory_space<vmem>>, %arg9: memref<10240xf32, #tpu.memory_space<vmem>>, %arg10: memref<640xf32, #tpu.memory_space<vmem>>, %arg11: memref<10240xf32, #tpu.memory_space<vmem_shared>>, %arg12: memref<163840xf32, #tpu.memory_space<vmem_shared>>) attributes {dimension_semantics = [#tpu.dimension_semantics<core_parallel>, #tpu.dimension_semantics<subcore_parallel>], iteration_bounds = array<i64: 2, 16>, scalar_prefetch = 0 : i64, scratch_operands = 7 : i64, tpu.core_type = #tpu.core_type<sc_vector_subcore>, window_params = [{transform_indices = #map}, {transform_indices = #map}, {transform_indices = #map}, {transform_indices = #map1}]} {
    %mul3A = arith.constant 640 : i32
    %mul3A_0 = arith.muli %arg1, %mul3A : i32
    "tpu.region"() ({
      %run_scoped3A = tpu.sem_alloc : memref<!tpu.dma_semaphore, #tpu.memory_space<semaphore_mem>>
      %dma_start3A = tpu.memref_slice %arg11[%mul3A_0] : memref<10240xf32, #tpu.memory_space<vmem_shared>> -> memref<640xf32, #tpu.memory_space<vmem_shared>>
      %dma_start3A_28 = tpu.memref_slice %arg4[%mul3A_0] : memref<10240xf32, #tpu.memory_space<hbm>> -> memref<640xf32, #tpu.memory_space<hbm>>
      tpu.enqueue_dma source(%dma_start3A_28 : memref<640xf32, #tpu.memory_space<hbm>>) target(%dma_start3A : memref<640xf32, #tpu.memory_space<vmem_shared>>) target_semaphore(%run_scoped3A : memref<!tpu.dma_semaphore, #tpu.memory_space<semaphore_mem>>)
      %dma_wait3A = tpu.memref_slice %arg11[%mul3A_0] : memref<10240xf32, #tpu.memory_space<vmem_shared>> -> memref<640xf32, #tpu.memory_space<vmem_shared>>
      %dma_wait3A_29 = tpu.memref_slice %arg4[%mul3A_0] : memref<10240xf32, #tpu.memory_space<hbm>> -> memref<640xf32, #tpu.memory_space<hbm>>
      tpu.wait_dma2 semaphore(%run_scoped3A : memref<!tpu.dma_semaphore, #tpu.memory_space<semaphore_mem>>) src(%dma_wait3A_29 : memref<640xf32, #tpu.memory_space<hbm>>) dst(%dma_wait3A : memref<640xf32, #tpu.memory_space<vmem_shared>>)
      tpu.yield
    }) : () -> ()
    %mul3A_1 = arith.constant 16 : i32
    %mul3A_2 = arith.muli %arg0, %mul3A_1 : i32
    %add3A = arith.addi %mul3A_2, %arg1 : i32
    %mul3A_3 = arith.constant 10000 : i32
    %mul3A_4 = arith.muli %add3A, %mul3A_3 : i32
    "tpu.region"() ({
      %run_scoped3A = tpu.sem_alloc : memref<!tpu.dma_semaphore, #tpu.memory_space<semaphore_mem>>
      %dma_start3A = tpu.memref_slice %arg2[%mul3A_4] : memref<320000xi32, #tpu.memory_space<hbm>> -> memref<10000xi32, #tpu.memory_space<hbm>>
      %dma_start3A_28 = tpu.memref_slice %arg2[%mul3A_4] : memref<320000xi32, #tpu.memory_space<hbm>> -> memref<10000xi32, #tpu.memory_space<hbm>>
      tpu.enqueue_dma source(%dma_start3A_28 : memref<10000xi32, #tpu.memory_space<hbm>>) target(%arg6 : memref<10000xi32, #tpu.memory_space<vmem>>) target_semaphore(%run_scoped3A : memref<!tpu.dma_semaphore, #tpu.memory_space<semaphore_mem>>)
      %dma_wait3A = tpu.memref_slice %arg2[%mul3A_4] : memref<320000xi32, #tpu.memory_space<hbm>> -> memref<10000xi32, #tpu.memory_space<hbm>>
      %dma_wait3A_29 = tpu.memref_slice %arg2[%mul3A_4] : memref<320000xi32, #tpu.memory_space<hbm>> -> memref<10000xi32, #tpu.memory_space<hbm>>
      tpu.wait_dma2 semaphore(%run_scoped3A : memref<!tpu.dma_semaphore, #tpu.memory_space<semaphore_mem>>) src(%dma_wait3A_29 : memref<10000xi32, #tpu.memory_space<hbm>>) dst(%arg6 : memref<10000xi32, #tpu.memory_space<vmem>>)
      tpu.yield
    }) : () -> ()
    "tpu.region"() ({
      %run_scoped3A = tpu.sem_alloc : memref<!tpu.dma_semaphore, #tpu.memory_space<semaphore_mem>>
      %dma_start3A = tpu.memref_slice %arg3[%mul3A_4] : memref<320000xi32, #tpu.memory_space<hbm>> -> memref<10000xi32, #tpu.memory_space<hbm>>
      %dma_start3A_28 = tpu.memref_slice %arg3[%mul3A_4] : memref<320000xi32, #tpu.memory_space<hbm>> -> memref<10000xi32, #tpu.memory_space<hbm>>
      tpu.enqueue_dma source(%dma_start3A_28 : memref<10000xi32, #tpu.memory_space<hbm>>) target(%arg7 : memref<10000xi32, #tpu.memory_space<vmem>>) target_semaphore(%run_scoped3A : memref<!tpu.dma_semaphore, #tpu.memory_space<semaphore_mem>>)
      %dma_wait3A = tpu.memref_slice %arg3[%mul3A_4] : memref<320000xi32, #tpu.memory_space<hbm>> -> memref<10000xi32, #tpu.memory_space<hbm>>
      %dma_wait3A_29 = tpu.memref_slice %arg3[%mul3A_4] : memref<320000xi32, #tpu.memory_space<hbm>> -> memref<10000xi32, #tpu.memory_space<hbm>>
      tpu.wait_dma2 semaphore(%run_scoped3A : memref<!tpu.dma_semaphore, #tpu.memory_space<semaphore_mem>>) src(%dma_wait3A_29 : memref<10000xi32, #tpu.memory_space<hbm>>) dst(%arg7 : memref<10000xi32, #tpu.memory_space<vmem>>)
      tpu.yield
    }) : () -> ()
    %scan3A = arith.constant 0 : i32
    %scan3A_5 = arith.constant 0 : i32
    %scan3A_6 = arith.constant 640 : i32
    %scan3A_7 = arith.addi %scan3A_5, %scan3A_6 : i32
    %scan3A_8 = arith.constant 1 : i32
    %scan3A_9 = scf.for %scan3A_28 = %scan3A_5 to %scan3A_7 step %scan3A_8 iter_args(%scan3A_29 = %scan3A) -> (i32)  : i32 {
      %broadcast_in_dim3A = arith.constant 0.000000e+00 : f32
      %broadcast_in_dim3A_30 = vector.broadcast %broadcast_in_dim3A : f32 to vector<16xf32>
      %mul3A_31 = arith.constant 16 : i32
      %mul3A_32 = arith.muli %scan3A_28, %mul3A_31 : i32
      %swap3A = arith.index_cast %mul3A_32 : i32 to index
      %swap3A_33 = tpu.vector_load %arg9[%swap3A] {strides = array<i32>} : memref<10240xf32, #tpu.memory_space<vmem>>, vector<16xf32>,
      tpu.vector_store %arg9[%swap3A], %broadcast_in_dim3A_30 {strides = array<i32>} : memref<10240xf32, #tpu.memory_space<vmem>>, vector<16xf32>,
      %scan3A_34 = arith.constant 0 : i32
      scf.yield %scan3A_34 : i32
    }
    %scan3A_10 = arith.constant 640 : i32
    %barrier3A = arith.constant 0 : index
    tpu.barrier barrier_id(%barrier3A)
    "tpu.region"() ({
      %run_scoped3A = tpu.sem_alloc : memref<!tpu.dma_semaphore, #tpu.memory_space<semaphore_mem>>
      %dma_start3A = arith.constant 0 : i32
      %dma_start3A_28 = tpu.memref_slice %arg11[%dma_start3A] : memref<10240xf32, #tpu.memory_space<vmem_shared>> -> memref<10240xf32, #tpu.memory_space<vmem_shared>>
      %dma_start3A_29 = arith.constant 0 : i32
      %dma_start3A_30 = tpu.memref_slice %arg11[%dma_start3A_29] : memref<10240xf32, #tpu.memory_space<vmem_shared>> -> memref<10240xf32, #tpu.memory_space<vmem_shared>>
      tpu.enqueue_dma source(%dma_start3A_30 : memref<10240xf32, #tpu.memory_space<vmem_shared>>) target(%arg8 : memref<10240xf32, #tpu.memory_space<vmem>>) target_semaphore(%run_scoped3A : memref<!tpu.dma_semaphore, #tpu.memory_space<semaphore_mem>>)
      %dma_wait3A = arith.constant 0 : i32
      %dma_wait3A_31 = tpu.memref_slice %arg11[%dma_wait3A] : memref<10240xf32, #tpu.memory_space<vmem_shared>> -> memref<10240xf32, #tpu.memory_space<vmem_shared>>
      %dma_wait3A_32 = arith.constant 0 : i32
      %dma_wait3A_33 = tpu.memref_slice %arg11[%dma_wait3A_32] : memref<10240xf32, #tpu.memory_space<vmem_shared>> -> memref<10240xf32, #tpu.memory_space<vmem_shared>>
      tpu.wait_dma2 semaphore(%run_scoped3A : memref<!tpu.dma_semaphore, #tpu.memory_space<semaphore_mem>>) src(%dma_wait3A_33 : memref<10240xf32, #tpu.memory_space<vmem_shared>>) dst(%arg8 : memref<10240xf32, #tpu.memory_space<vmem>>)
      tpu.yield
    }) : () -> ()
    %scan3A_11 = arith.constant 0 : i32
    %scan3A_12 = arith.constant 0 : i32
    %scan3A_13 = arith.constant 625 : i32
    %scan3A_14 = arith.addi %scan3A_12, %scan3A_13 : i32
    %scan3A_15 = arith.constant 1 : i32
    %scan3A_16 = scf.for %scan3A_28 = %scan3A_12 to %scan3A_14 step %scan3A_15 iter_args(%scan3A_29 = %scan3A_11) -> (i32)  : i32 {
      %mul3A_30 = arith.constant 16 : i32
      %mul3A_31 = arith.muli %scan3A_28, %mul3A_30 : i32
      %get3A = arith.index_cast %mul3A_31 : i32 to index
      %get3A_32 = tpu.vector_load %arg6[%get3A] {strides = array<i32>} : memref<10000xi32, #tpu.memory_space<vmem>>, vector<16xi32>,
      %gather3A = tpu.vector_load_idx %arg8[%get3A_32] : memref<10240xf32, #tpu.memory_space<vmem>>[vector<16xi32>], vector<16xf32>,
      %get3A_33 = arith.index_cast %mul3A_31 : i32 to index
      %get3A_34 = tpu.vector_load %arg7[%get3A_33] {strides = array<i32>} : memref<10000xi32, #tpu.memory_space<vmem>>, vector<16xi32>,
      tpu.vector_store_idx %arg9[%get3A_34], %gather3A {add = true} : memref<10240xf32, #tpu.memory_space<vmem>>[vector<16xi32>], vector<16xf32>,
      %scan3A_35 = arith.constant 0 : i32
      scf.yield %scan3A_35 : i32
    }
    %scan3A_17 = arith.constant 625 : i32
    %mul3A_18 = arith.constant 10240 : i32
    %mul3A_19 = arith.muli %arg1, %mul3A_18 : i32
    "tpu.region"() ({
      %run_scoped3A = tpu.sem_alloc : memref<!tpu.dma_semaphore, #tpu.memory_space<semaphore_mem>>
      %dma_start3A = tpu.memref_slice %arg12[%mul3A_19] : memref<163840xf32, #tpu.memory_space<vmem_shared>> -> memref<10240xf32, #tpu.memory_space<vmem_shared>>
      %dma_start3A_28 = tpu.memref_slice %arg12[%mul3A_19] : memref<163840xf32, #tpu.memory_space<vmem_shared>> -> memref<10240xf32, #tpu.memory_space<vmem_shared>>
      tpu.enqueue_dma source(%arg9 : memref<10240xf32, #tpu.memory_space<vmem>>) target(%dma_start3A_28 : memref<10240xf32, #tpu.memory_space<vmem_shared>>) target_semaphore(%run_scoped3A : memref<!tpu.dma_semaphore, #tpu.memory_space<semaphore_mem>>)
      %dma_wait3A = tpu.memref_slice %arg12[%mul3A_19] : memref<163840xf32, #tpu.memory_space<vmem_shared>> -> memref<10240xf32, #tpu.memory_space<vmem_shared>>
      %dma_wait3A_29 = tpu.memref_slice %arg12[%mul3A_19] : memref<163840xf32, #tpu.memory_space<vmem_shared>> -> memref<10240xf32, #tpu.memory_space<vmem_shared>>
      tpu.wait_dma2 semaphore(%run_scoped3A : memref<!tpu.dma_semaphore, #tpu.memory_space<semaphore_mem>>) src(%arg9 : memref<10240xf32, #tpu.memory_space<vmem>>) dst(%dma_wait3A_29 : memref<10240xf32, #tpu.memory_space<vmem_shared>>)
      tpu.yield
    }) : () -> ()
    %barrier3A_20 = arith.constant 0 : index
    tpu.barrier barrier_id(%barrier3A_20)
    "tpu.region"() ({
      %run_scoped3A = tpu.sem_alloc : memref<!tpu.dma_semaphore, #tpu.memory_space<semaphore_mem>>
      %dma_start3A = arith.constant 0 : i32
      %dma_start3A_28 = tpu.memref_slice %arg9[%dma_start3A] : memref<10240xf32, #tpu.memory_space<vmem>> -> memref<640xf32, #tpu.memory_space<vmem>>
      %dma_start3A_29 = tpu.memref_slice %arg12[%mul3A_0] : memref<163840xf32, #tpu.memory_space<vmem_shared>> -> memref<640xf32, #tpu.memory_space<vmem_shared>>
      %dma_start3A_30 = arith.constant 0 : i32
      %dma_start3A_31 = tpu.memref_slice %arg9[%dma_start3A_30] : memref<10240xf32, #tpu.memory_space<vmem>> -> memref<640xf32, #tpu.memory_space<vmem>>
      %dma_start3A_32 = tpu.memref_slice %arg12[%mul3A_0] : memref<163840xf32, #tpu.memory_space<vmem_shared>> -> memref<640xf32, #tpu.memory_space<vmem_shared>>
      tpu.enqueue_dma source(%dma_start3A_32 : memref<640xf32, #tpu.memory_space<vmem_shared>>) target(%dma_start3A_31 : memref<640xf32, #tpu.memory_space<vmem>>) target_semaphore(%run_scoped3A : memref<!tpu.dma_semaphore, #tpu.memory_space<semaphore_mem>>)
      %dma_wait3A = arith.constant 0 : i32
      %dma_wait3A_33 = tpu.memref_slice %arg9[%dma_wait3A] : memref<10240xf32, #tpu.memory_space<vmem>> -> memref<640xf32, #tpu.memory_space<vmem>>
      %dma_wait3A_34 = tpu.memref_slice %arg12[%mul3A_0] : memref<163840xf32, #tpu.memory_space<vmem_shared>> -> memref<640xf32, #tpu.memory_space<vmem_shared>>
      %dma_wait3A_35 = arith.constant 0 : i32
      %dma_wait3A_36 = tpu.memref_slice %arg9[%dma_wait3A_35] : memref<10240xf32, #tpu.memory_space<vmem>> -> memref<640xf32, #tpu.memory_space<vmem>>
      %dma_wait3A_37 = tpu.memref_slice %arg12[%mul3A_0] : memref<163840xf32, #tpu.memory_space<vmem_shared>> -> memref<640xf32, #tpu.memory_space<vmem_shared>>
      tpu.wait_dma2 semaphore(%run_scoped3A : memref<!tpu.dma_semaphore, #tpu.memory_space<semaphore_mem>>) src(%dma_wait3A_37 : memref<640xf32, #tpu.memory_space<vmem_shared>>) dst(%dma_wait3A_36 : memref<640xf32, #tpu.memory_space<vmem>>)
      tpu.yield
    }) : () -> ()
    %scan3A_21 = arith.constant 0 : i32
    %scan3A_22 = arith.constant 1 : i32
    %scan3A_23 = arith.constant 15 : i32
    %scan3A_24 = arith.addi %scan3A_22, %scan3A_23 : i32
    %scan3A_25 = arith.constant 1 : i32
    %scan3A_26 = scf.for %scan3A_28 = %scan3A_22 to %scan3A_24 step %scan3A_25 iter_args(%scan3A_29 = %scan3A_21) -> (i32)  : i32 {
      %mul3A_30 = arith.constant 10240 : i32
      %mul3A_31 = arith.muli %scan3A_28, %mul3A_30 : i32
      %add3A_32 = arith.addi %mul3A_31, %mul3A_0 : i32
      "tpu.region"() ({
        %run_scoped3A = tpu.sem_alloc : memref<!tpu.dma_semaphore, #tpu.memory_space<semaphore_mem>>
        %dma_start3A = tpu.memref_slice %arg12[%add3A_32] : memref<163840xf32, #tpu.memory_space<vmem_shared>> -> memref<640xf32, #tpu.memory_space<vmem_shared>>
        %dma_start3A_41 = tpu.memref_slice %arg12[%add3A_32] : memref<163840xf32, #tpu.memory_space<vmem_shared>> -> memref<640xf32, #tpu.memory_space<vmem_shared>>
        tpu.enqueue_dma source(%dma_start3A_41 : memref<640xf32, #tpu.memory_space<vmem_shared>>) target(%arg10 : memref<640xf32, #tpu.memory_space<vmem>>) target_semaphore(%run_scoped3A : memref<!tpu.dma_semaphore, #tpu.memory_space<semaphore_mem>>)
        %dma_wait3A = tpu.memref_slice %arg12[%add3A_32] : memref<163840xf32, #tpu.memory_space<vmem_shared>> -> memref<640xf32, #tpu.memory_space<vmem_shared>>
        %dma_wait3A_42 = tpu.memref_slice %arg12[%add3A_32] : memref<163840xf32, #tpu.memory_space<vmem_shared>> -> memref<640xf32, #tpu.memory_space<vmem_shared>>
        tpu.wait_dma2 semaphore(%run_scoped3A : memref<!tpu.dma_semaphore, #tpu.memory_space<semaphore_mem>>) src(%dma_wait3A_42 : memref<640xf32, #tpu.memory_space<vmem_shared>>) dst(%arg10 : memref<640xf32, #tpu.memory_space<vmem>>)
        tpu.yield
      }) : () -> ()
      %scan3A_33 = arith.constant 0 : i32
      %scan3A_34 = arith.constant 0 : i32
      %scan3A_35 = arith.constant 40 : i32
      %scan3A_36 = arith.addi %scan3A_34, %scan3A_35 : i32
      %scan3A_37 = arith.constant 1 : i32
      %scan3A_38 = scf.for %scan3A_41 = %scan3A_34 to %scan3A_36 step %scan3A_37 iter_args(%scan3A_42 = %scan3A_33) -> (i32)  : i32 {
        %mul3A_43 = arith.constant 16 : i32
        %mul3A_44 = arith.muli %scan3A_41, %mul3A_43 : i32
        %get3A = arith.index_cast %mul3A_44 : i32 to index
        %get3A_45 = tpu.vector_load %arg9[%get3A] {strides = array<i32>} : memref<10240xf32, #tpu.memory_space<vmem>>, vector<16xf32>,
        %get3A_46 = arith.index_cast %mul3A_44 : i32 to index
        %get3A_47 = tpu.vector_load %arg10[%get3A_46] {strides = array<i32>} : memref<640xf32, #tpu.memory_space<vmem>>, vector<16xf32>,
        %add3A_48 = arith.addf %get3A_45, %get3A_47 : vector<16xf32>
        %swap3A = arith.index_cast %mul3A_44 : i32 to index
        %swap3A_49 = tpu.vector_load %arg9[%swap3A] {strides = array<i32>} : memref<10240xf32, #tpu.memory_space<vmem>>, vector<16xf32>,
        tpu.vector_store %arg9[%swap3A], %add3A_48 {strides = array<i32>} : memref<10240xf32, #tpu.memory_space<vmem>>, vector<16xf32>,
        %scan3A_50 = arith.constant 0 : i32
        scf.yield %scan3A_50 : i32
      }
      %scan3A_39 = arith.constant 40 : i32
      %scan3A_40 = arith.constant 0 : i32
      scf.yield %scan3A_40 : i32
    }
    %scan3A_27 = arith.constant 15 : i32
    "tpu.region"() ({
      %run_scoped3A = tpu.sem_alloc : memref<!tpu.dma_semaphore, #tpu.memory_space<semaphore_mem>>
      %dma_start3A = arith.constant 0 : i32
      %dma_start3A_28 = tpu.memref_slice %arg9[%dma_start3A] : memref<10240xf32, #tpu.memory_space<vmem>> -> memref<640xf32, #tpu.memory_space<vmem>>
      %dma_start3A_29 = tpu.memref_slice %arg5[%arg0, %mul3A_0] : memref<2x10240xf32, #tpu.memory_space<hbm>> -> memref<1x640xf32, #tpu.memory_space<hbm>>
      %dma_start3A_30 = tpu.memref_squeeze %dma_start3A_29 : memref<1x640xf32, #tpu.memory_space<hbm>> -> memref<640xf32, #tpu.memory_space<hbm>>
      %dma_start3A_31 = tpu.memref_slice %arg5[%arg0, %mul3A_0] : memref<2x10240xf32, #tpu.memory_space<hbm>> -> memref<1x640xf32, #tpu.memory_space<hbm>>
      %dma_start3A_32 = tpu.memref_squeeze %dma_start3A_31 : memref<1x640xf32, #tpu.memory_space<hbm>> -> memref<640xf32, #tpu.memory_space<hbm>>
      %dma_start3A_33 = arith.constant 0 : i32
      %dma_start3A_34 = tpu.memref_slice %arg9[%dma_start3A_33] : memref<10240xf32, #tpu.memory_space<vmem>> -> memref<640xf32, #tpu.memory_space<vmem>>
      tpu.enqueue_dma source(%dma_start3A_34 : memref<640xf32, #tpu.memory_space<vmem>>) target(%dma_start3A_32 : memref<640xf32, #tpu.memory_space<hbm>>) target_semaphore(%run_scoped3A : memref<!tpu.dma_semaphore, #tpu.memory_space<semaphore_mem>>)
      %dma_wait3A = arith.constant 0 : i32
      %dma_wait3A_35 = tpu.memref_slice %arg9[%dma_wait3A] : memref<10240xf32, #tpu.memory_space<vmem>> -> memref<640xf32, #tpu.memory_space<vmem>>
      %dma_wait3A_36 = tpu.memref_slice %arg5[%arg0, %mul3A_0] : memref<2x10240xf32, #tpu.memory_space<hbm>> -> memref<1x640xf32, #tpu.memory_space<hbm>>
      %dma_wait3A_37 = tpu.memref_squeeze %dma_wait3A_36 : memref<1x640xf32, #tpu.memory_space<hbm>> -> memref<640xf32, #tpu.memory_space<hbm>>
      %dma_wait3A_38 = tpu.memref_slice %arg5[%arg0, %mul3A_0] : memref<2x10240xf32, #tpu.memory_space<hbm>> -> memref<1x640xf32, #tpu.memory_space<hbm>>
      %dma_wait3A_39 = tpu.memref_squeeze %dma_wait3A_38 : memref<1x640xf32, #tpu.memory_space<hbm>> -> memref<640xf32, #tpu.memory_space<hbm>>
      %dma_wait3A_40 = arith.constant 0 : i32
      %dma_wait3A_41 = tpu.memref_slice %arg9[%dma_wait3A_40] : memref<10240xf32, #tpu.memory_space<vmem>> -> memref<640xf32, #tpu.memory_space<vmem>>
      tpu.wait_dma2 semaphore(%run_scoped3A : memref<!tpu.dma_semaphore, #tpu.memory_space<semaphore_mem>>) src(%dma_wait3A_41 : memref<640xf32, #tpu.memory_space<vmem>>) dst(%dma_wait3A_39 : memref<640xf32, #tpu.memory_space<hbm>>)
      tpu.yield
    }) : () -> ()
    return
  }
}

module attributes {stable_mosaic.version = 14 : i64} {
  func.func @_u_body(%arg0: i32, %arg1: memref<1024x128xf32, #tpu.memory_space<vmem>>, %arg2: memref<128x128xf32, #tpu.memory_space<vmem>>, %arg3: memref<128xf32, #tpu.memory_space<vmem>>, %arg4: memref<128x128xf32, #tpu.memory_space<vmem>>, %arg5: memref<128xf32, #tpu.memory_space<vmem>>, %arg6: memref<2x1024xi32, #tpu.memory_space<vmem>>, %arg7: memref<1024xf32, #tpu.memory_space<vmem>>) attributes {dimension_semantics = [#tpu.dimension_semantics<arbitrary>], iteration_bounds = array<i64: 10>, scalar_prefetch = 0 : i64, scratch_operands = 0 : i64, tpu.core_type = #tpu.core_type<tc>, window_params = [{transform_indices = @transform_0, window_bounds = array<i64: 1024, 128>}, {pipeline_mode = #tpu.pipeline_mode<synchronous>, transform_indices = @transform_1, window_bounds = array<i64: 128, 128>}, {pipeline_mode = #tpu.pipeline_mode<synchronous>, transform_indices = @transform_2, window_bounds = array<i64: 128>}, {pipeline_mode = #tpu.pipeline_mode<synchronous>, transform_indices = @transform_3, window_bounds = array<i64: 128, 128>}, {pipeline_mode = #tpu.pipeline_mode<synchronous>, transform_indices = @transform_4, window_bounds = array<i64: 128>}, {transform_indices = @transform_5, window_bounds = array<i64: 2, 1024>}, {transform_indices = @transform_6, window_bounds = array<i64: 1024>}]} {
    %get3A = arith.constant 0 : index
    %get3A_0 = arith.constant 0 : index
    %get3A_1 = vector.load %arg1[%get3A, %get3A_0] : memref<1024x128xf32, #tpu.memory_space<vmem>>, vector<1024x128xf32>
    %get3A_2 = arith.constant 0 : index
    %get3A_3 = arith.constant 0 : index
    %get3A_4 = vector.load %arg2[%get3A_2, %get3A_3] : memref<128x128xf32, #tpu.memory_space<vmem>>, vector<128x128xf32>
    %dot_general3A = arith.constant dense<0.000000e+00> : vector<1024x128xf32>
    %dot_general3A_5 = tpu.matmul %get3A_1, %get3A_4, %dot_general3A {dimension_numbers = #tpu.dot_dimension_numbers<[1], [0], [0], [1], [0, 0, 1, 1], [], []>, transpose_lhs_hint = false} : vector<1024x128xf32>, vector<128x128xf32>, vector<1024x128xf32> -> vector<1024x128xf32>
    %get3A_6 = arith.constant 0 : index
    %get3A_7 = vector.load %arg3[%get3A_6] : memref<128xf32, #tpu.memory_space<vmem>>, vector<128xf32>
    %broadcast_in_dim3A = vector.shape_cast %get3A_7 : vector<128xf32> to vector<1x128xf32>
    %add3A = vector.broadcast %broadcast_in_dim3A : vector<1x128xf32> to vector<1024x128xf32>
    %add3A_8 = arith.addf %dot_general3A_5, %add3A : vector<1024x128xf32>
    %max3A = arith.constant 0.000000e+00 : f32
    %max3A_9 = vector.broadcast %max3A : f32 to vector<1024x128xf32>
    %max3A_10 = arith.maximumf %add3A_8, %max3A_9 : vector<1024x128xf32>
    %get3A_11 = arith.constant 0 : index
    %get3A_12 = arith.constant 0 : index
    %get3A_13 = vector.load %arg4[%get3A_11, %get3A_12] : memref<128x128xf32, #tpu.memory_space<vmem>>, vector<128x128xf32>
    %dot_general3A_14 = arith.constant dense<0.000000e+00> : vector<1024x128xf32>
    %dot_general3A_15 = tpu.matmul %max3A_10, %get3A_13, %dot_general3A_14 {dimension_numbers = #tpu.dot_dimension_numbers<[1], [0], [0], [1], [0, 0, 1, 1], [], []>, transpose_lhs_hint = false} : vector<1024x128xf32>, vector<128x128xf32>, vector<1024x128xf32> -> vector<1024x128xf32>
    %reduce_sum3A = arith.constant dense<0.000000e+00> : vector<1024xf32>
    %reduce_sum3A_16 = vector.multi_reduction <add>, %dot_general3A_15, %reduce_sum3A [1] : vector<1024x128xf32> to vector<1024xf32>
    %get3A_17 = arith.constant 0 : index
    %get3A_18 = vector.load %arg5[%get3A_17] : memref<128xf32, #tpu.memory_space<vmem>>, vector<128xf32>
    %reduce_sum3A_19 = vector.shape_cast %get3A_18 : vector<128xf32> to vector<1x128xf32>
    %reduce_sum3A_20 = arith.constant dense<0.000000e+00> : vector<1xf32>
    %reduce_sum3A_21 = vector.multi_reduction <add>, %reduce_sum3A_19, %reduce_sum3A_20 [1] : vector<1x128xf32> to vector<1xf32>
    %reduce_sum3A_22 = vector.shape_cast %reduce_sum3A_21 : vector<1xf32> to vector<1x1xf32>
    %reduce_sum3A_23 = vector.extract %reduce_sum3A_22[0, 0] : f32 from vector<1x1xf32>
    %add3A_24 = vector.broadcast %reduce_sum3A_23 : f32 to vector<1024xf32>
    %add3A_25 = arith.addf %reduce_sum3A_16, %add3A_24 : vector<1024xf32>
    %get3A_26 = arith.constant 0 : index
    %get3A_27 = arith.constant 0 : index
    %get3A_28 = vector.load %arg6[%get3A_26, %get3A_27] : memref<2x1024xi32, #tpu.memory_space<vmem>>, vector<1x1024xi32>
    %get3A_29 = vector.shape_cast %get3A_28 : vector<1x1024xi32> to vector<1024xi32>
    %convert_element_type3A = arith.sitofp %get3A_29 : vector<1024xi32> to vector<1024xf32>
    %add3A_30 = arith.constant 1.000000e+00 : f32
    %add3A_31 = vector.broadcast %add3A_30 : f32 to vector<1024xf32>
    %add3A_32 = arith.addf %convert_element_type3A, %add3A_31 : vector<1024xf32>
    %rsqrt3A = math.rsqrt %add3A_32 : vector<1024xf32>
    %mul3A = arith.mulf %add3A_25, %rsqrt3A : vector<1024xf32>
    %swap3A = arith.constant 0 : index
    %swap3A_33 = vector.load %arg7[%swap3A] : memref<1024xf32, #tpu.memory_space<vmem>>, vector<1024xf32>
    tpu.vector_store %arg7[%swap3A], %mul3A {strides = array<i32>} : memref<1024xf32, #tpu.memory_space<vmem>>, vector<1024xf32>,
    return
  }
  func.func @transform_0(%arg0: i32) -> (i32, i32) {
    %c0_i32 = arith.constant 0 : i32
    %c0_i32_0 = arith.constant 0 : i32
    return %arg0, %c0_i32 : i32, i32
  }
  func.func @transform_1(%arg0: i32) -> (i32, i32) {
    %c0_i32 = arith.constant 0 : i32
    %c0_i32_0 = arith.constant 0 : i32
    %c0_i32_1 = arith.constant 0 : i32
    return %c0_i32, %c0_i32_0 : i32, i32
  }
  func.func @transform_2(%arg0: i32) -> i32 {
    %c0_i32 = arith.constant 0 : i32
    %c0_i32_0 = arith.constant 0 : i32
    return %c0_i32 : i32
  }
  func.func @transform_3(%arg0: i32) -> (i32, i32) {
    %c0_i32 = arith.constant 0 : i32
    %c0_i32_0 = arith.constant 0 : i32
    %c0_i32_1 = arith.constant 0 : i32
    return %c0_i32, %c0_i32_0 : i32, i32
  }
  func.func @transform_4(%arg0: i32) -> i32 {
    %c0_i32 = arith.constant 0 : i32
    %c0_i32_0 = arith.constant 0 : i32
    return %c0_i32 : i32
  }
  func.func @transform_5(%arg0: i32) -> (i32, i32) {
    %c0_i32 = arith.constant 0 : i32
    %c0_i32_0 = arith.constant 0 : i32
    return %c0_i32, %arg0 : i32, i32
  }
  func.func @transform_6(%arg0: i32) -> i32 {
    %c0_i32 = arith.constant 0 : i32
    return %arg0 : i32
  }
}

module attributes {stable_mosaic.version = 14 : i64} {
  func.func @_final_body(%arg0: i32, %arg1: memref<2x1024xf32, #tpu.memory_space<vmem>>, %arg2: memref<1024xf32, #tpu.memory_space<vmem>>, %arg3: memref<2x1024xi32, #tpu.memory_space<vmem>>, %arg4: memref<1024x128xf32, #tpu.memory_space<vmem>>, %arg5: memref<128xf32, #tpu.memory_space<vmem>>, %arg6: memref<128x16xf32, #tpu.memory_space<vmem>>, %arg7: memref<16xf32, #tpu.memory_space<vmem>>, %arg8: memref<1x16xf32, #tpu.memory_space<vmem>>, %arg9: memref<1x128xf32, #tpu.memory_space<vmem>>) attributes {dimension_semantics = [#tpu.dimension_semantics<arbitrary>], iteration_bounds = array<i64: 10>, scalar_prefetch = 0 : i64, scratch_operands = 1 : i64, tpu.core_type = #tpu.core_type<tc>, window_params = [{transform_indices = @transform_0, window_bounds = array<i64: 2, 1024>}, {transform_indices = @transform_1, window_bounds = array<i64: 1024>}, {transform_indices = @transform_2, window_bounds = array<i64: 2, 1024>}, {transform_indices = @transform_3, window_bounds = array<i64: 1024, 128>}, {pipeline_mode = #tpu.pipeline_mode<synchronous>, transform_indices = @transform_4, window_bounds = array<i64: 128>}, {pipeline_mode = #tpu.pipeline_mode<synchronous>, transform_indices = @transform_5, window_bounds = array<i64: 128, 16>}, {pipeline_mode = #tpu.pipeline_mode<synchronous>, transform_indices = @transform_6, window_bounds = array<i64: 16>}, {pipeline_mode = #tpu.pipeline_mode<synchronous>, transform_indices = @transform_7, window_bounds = array<i64: 1, 16>}]} {
    %mul3A = arith.constant 1024 : i32
    %mul3A_0 = arith.muli %arg0, %mul3A : i32
    %get3A = arith.constant 0 : index
    %get3A_1 = arith.constant 0 : index
    %get3A_2 = vector.load %arg1[%get3A, %get3A_1] : memref<2x1024xf32, #tpu.memory_space<vmem>>, vector<1x1024xf32>
    %get3A_3 = vector.shape_cast %get3A_2 : vector<1x1024xf32> to vector<1024xf32>
    %get3A_4 = arith.constant 1 : index
    %get3A_5 = arith.constant 0 : index
    %get3A_6 = vector.load %arg1[%get3A_4, %get3A_5] : memref<2x1024xf32, #tpu.memory_space<vmem>>, vector<1x1024xf32>
    %get3A_7 = vector.shape_cast %get3A_6 : vector<1x1024xf32> to vector<1024xf32>
    %add3A = arith.addf %get3A_3, %get3A_7 : vector<1024xf32>
    %get3A_8 = arith.constant 0 : index
    %get3A_9 = vector.load %arg2[%get3A_8] : memref<1024xf32, #tpu.memory_space<vmem>>, vector<1024xf32>
    %add3A_10 = arith.addf %add3A, %get3A_9 : vector<1024xf32>
    %get3A_11 = arith.constant 1 : index
    %get3A_12 = arith.constant 0 : index
    %get3A_13 = vector.load %arg3[%get3A_11, %get3A_12] : memref<2x1024xi32, #tpu.memory_space<vmem>>, vector<1x1024xi32>
    %get3A_14 = vector.shape_cast %get3A_13 : vector<1x1024xi32> to vector<1024xi32>
    %convert_element_type3A = arith.sitofp %get3A_14 : vector<1024xi32> to vector<1024xf32>
    %add3A_15 = arith.constant 1.000000e+00 : f32
    %add3A_16 = vector.broadcast %add3A_15 : f32 to vector<1024xf32>
    %add3A_17 = arith.addf %convert_element_type3A, %add3A_16 : vector<1024xf32>
    %rsqrt3A = math.rsqrt %add3A_17 : vector<1024xf32>
    %mul3A_18 = arith.mulf %add3A_10, %rsqrt3A : vector<1024xf32>
    %iota3A = tpu.iota {dimensions = array<i32: 1>} : vector<1x1024xi32>
    %iota3A_19 = vector.shape_cast %iota3A : vector<1x1024xi32> to vector<1024xi32>
    %add3A_20 = vector.broadcast %mul3A_0 : i32 to vector<1024xi32>
    %add3A_21 = arith.addi %iota3A_19, %add3A_20 : vector<1024xi32>
    %lt3A = arith.constant 10000 : i32
    %lt3A_22 = vector.broadcast %lt3A : i32 to vector<1024xi32>
    %lt3A_23 = arith.cmpi slt, %add3A_21, %lt3A_22 : vector<1024xi32>
    %mul3A_24 = arith.constant 9.99999974E-5 : f32
    %mul3A_25 = vector.broadcast %mul3A_24 : f32 to vector<1024xf32>
    %mul3A_26 = arith.mulf %mul3A_18, %mul3A_25 : vector<1024xf32>
    %jit3A = arith.constant 0.000000e+00 : f32
    %broadcast_in_dim3A = vector.broadcast %jit3A : f32 to vector<1024xf32>
    %select_n3A = arith.select %lt3A_23, %mul3A_26, %broadcast_in_dim3A : vector<1024xi1>, vector<1024xf32>
    %broadcast_in_dim3A_27 = vector.shape_cast %select_n3A : vector<1024xf32> to vector<1x1024xf32>
    %iota3A_28 = tpu.iota {dimensions = array<i32: 0>} : vector<1024x1xi32>
    %add3A_29 = vector.broadcast %mul3A_0 : i32 to vector<1024x1xi32>
    %add3A_30 = arith.addi %iota3A_28, %add3A_29 : vector<1024x1xi32>
    %lt3A_31 = arith.constant 10000 : i32
    %lt3A_32 = vector.broadcast %lt3A_31 : i32 to vector<1024x1xi32>
    %lt3A_33 = arith.cmpi slt, %add3A_30, %lt3A_32 : vector<1024x1xi32>
    %get3A_34 = arith.constant 0 : index
    %get3A_35 = arith.constant 0 : index
    %get3A_36 = vector.load %arg4[%get3A_34, %get3A_35] : memref<1024x128xf32, #tpu.memory_space<vmem>>, vector<1024x128xf32>
    %jit3A_37 = arith.constant 0.000000e+00 : f32
    %broadcast_in_dim3A_38 = vector.shape_cast %lt3A_33 : vector<1024x1xi1> to vector<1024x1xi1>
    %broadcast_in_dim3A_39 = vector.broadcast %broadcast_in_dim3A_38 : vector<1024x1xi1> to vector<1024x128xi1>
    %broadcast_in_dim3A_40 = vector.broadcast %jit3A_37 : f32 to vector<1024x128xf32>
    %select_n3A_41 = arith.select %broadcast_in_dim3A_39, %get3A_36, %broadcast_in_dim3A_40 : vector<1024x128xi1>, vector<1024x128xf32>
    %dot_general3A = arith.constant dense<0.000000e+00> : vector<1x128xf32>
    %dot_general3A_42 = tpu.matmul %broadcast_in_dim3A_27, %select_n3A_41, %dot_general3A {dimension_numbers = #tpu.dot_dimension_numbers<[1], [0], [0], [1], [0, 0, 1, 1], [], []>, transpose_lhs_hint = false} : vector<1x1024xf32>, vector<1024x128xf32>, vector<1x128xf32> -> vector<1x128xf32>
    %eq3A = arith.constant 0 : i32
    %eq3A_43 = arith.cmpi eq, %arg0, %eq3A : i32
    %convert_element_type3A_44 = arith.extui %eq3A_43 : i1 to i32
    %cond3A = arith.constant 0 : i32
    %cond3A_45 = arith.cmpi ne, %convert_element_type3A_44, %cond3A : i32
    scf.if %cond3A_45 {
      %broadcast_in_dim3A_57 = arith.constant 0.000000e+00 : f32
      %broadcast_in_dim3A_58 = vector.broadcast %broadcast_in_dim3A_57 : f32 to vector<1x128xf32>
      %swap3A_59 = arith.constant 0 : index
      %swap3A_60 = arith.constant 0 : index
      %swap3A_61 = vector.load %arg9[%swap3A_59, %swap3A_60] : memref<1x128xf32, #tpu.memory_space<vmem>>, vector<1x128xf32>
      tpu.vector_store %arg9[%swap3A_59, %swap3A_60], %broadcast_in_dim3A_58 {strides = array<i32>} : memref<1x128xf32, #tpu.memory_space<vmem>>, vector<1x128xf32>,
    } else {
    }
    %get3A_46 = arith.constant 0 : index
    %get3A_47 = arith.constant 0 : index
    %get3A_48 = vector.load %arg9[%get3A_46, %get3A_47] : memref<1x128xf32, #tpu.memory_space<vmem>>, vector<1x128xf32>
    %add3A_49 = arith.addf %get3A_48, %dot_general3A_42 : vector<1x128xf32>
    %swap3A = arith.constant 0 : index
    %swap3A_50 = arith.constant 0 : index
    %swap3A_51 = vector.load %arg9[%swap3A, %swap3A_50] : memref<1x128xf32, #tpu.memory_space<vmem>>, vector<1x128xf32>
    tpu.vector_store %arg9[%swap3A, %swap3A_50], %add3A_49 {strides = array<i32>} : memref<1x128xf32, #tpu.memory_space<vmem>>, vector<1x128xf32>,
    %eq3A_52 = arith.constant 9 : i32
    %eq3A_53 = arith.cmpi eq, %arg0, %eq3A_52 : i32
    %convert_element_type3A_54 = arith.extui %eq3A_53 : i1 to i32
    %cond3A_55 = arith.constant 0 : i32
    %cond3A_56 = arith.cmpi ne, %convert_element_type3A_54, %cond3A_55 : i32
    scf.if %cond3A_56 {
      %get3A_57 = arith.constant 0 : index
      %get3A_58 = arith.constant 0 : index
      %get3A_59 = vector.load %arg9[%get3A_57, %get3A_58] : memref<1x128xf32, #tpu.memory_space<vmem>>, vector<1x128xf32>
      %get3A_60 = arith.constant 0 : index
      %get3A_61 = vector.load %arg5[%get3A_60] : memref<128xf32, #tpu.memory_space<vmem>>, vector<128xf32>
      %broadcast_in_dim3A_62 = vector.shape_cast %get3A_61 : vector<128xf32> to vector<1x128xf32>
      %add3A_63 = arith.addf %get3A_59, %broadcast_in_dim3A_62 : vector<1x128xf32>
      %max3A = arith.constant 0.000000e+00 : f32
      %max3A_64 = vector.broadcast %max3A : f32 to vector<1x128xf32>
      %max3A_65 = arith.maximumf %add3A_63, %max3A_64 : vector<1x128xf32>
      %get3A_66 = arith.constant 0 : index
      %get3A_67 = arith.constant 0 : index
      %get3A_68 = vector.load %arg6[%get3A_66, %get3A_67] : memref<128x16xf32, #tpu.memory_space<vmem>>, vector<128x16xf32>
      %dot_general3A_69 = arith.constant dense<0.000000e+00> : vector<1x16xf32>
      %dot_general3A_70 = tpu.matmul %max3A_65, %get3A_68, %dot_general3A_69 {dimension_numbers = #tpu.dot_dimension_numbers<[1], [0], [0], [1], [0, 0, 1, 1], [], []>, transpose_lhs_hint = false} : vector<1x128xf32>, vector<128x16xf32>, vector<1x16xf32> -> vector<1x16xf32>
      %get3A_71 = arith.constant 0 : index
      %get3A_72 = vector.load %arg7[%get3A_71] : memref<16xf32, #tpu.memory_space<vmem>>, vector<16xf32>
      %broadcast_in_dim3A_73 = vector.shape_cast %get3A_72 : vector<16xf32> to vector<1x16xf32>
      %add3A_74 = arith.addf %dot_general3A_70, %broadcast_in_dim3A_73 : vector<1x16xf32>
      %swap3A_75 = arith.constant 0 : index
      %swap3A_76 = arith.constant 0 : index
      %swap3A_77 = vector.load %arg8[%swap3A_75, %swap3A_76] : memref<1x16xf32, #tpu.memory_space<vmem>>, vector<1x16xf32>
      tpu.vector_store %arg8[%swap3A_75, %swap3A_76], %add3A_74 {strides = array<i32>} : memref<1x16xf32, #tpu.memory_space<vmem>>, vector<1x16xf32>,
    } else {
    }
    return
  }
  func.func @transform_0(%arg0: i32) -> (i32, i32) {
    %c0_i32 = arith.constant 0 : i32
    %c0_i32_0 = arith.constant 0 : i32
    return %c0_i32, %arg0 : i32, i32
  }
  func.func @transform_1(%arg0: i32) -> i32 {
    %c0_i32 = arith.constant 0 : i32
    return %arg0 : i32
  }
  func.func @transform_2(%arg0: i32) -> (i32, i32) {
    %c0_i32 = arith.constant 0 : i32
    %c0_i32_0 = arith.constant 0 : i32
    return %c0_i32, %arg0 : i32, i32
  }
  func.func @transform_3(%arg0: i32) -> (i32, i32) {
    %c0_i32 = arith.constant 0 : i32
    %c0_i32_0 = arith.constant 0 : i32
    return %arg0, %c0_i32 : i32, i32
  }
  func.func @transform_4(%arg0: i32) -> i32 {
    %c0_i32 = arith.constant 0 : i32
    %c0_i32_0 = arith.constant 0 : i32
    return %c0_i32 : i32
  }
  func.func @transform_5(%arg0: i32) -> (i32, i32) {
    %c0_i32 = arith.constant 0 : i32
    %c0_i32_0 = arith.constant 0 : i32
    %c0_i32_1 = arith.constant 0 : i32
    return %c0_i32, %c0_i32_0 : i32, i32
  }
  func.func @transform_6(%arg0: i32) -> i32 {
    %c0_i32 = arith.constant 0 : i32
    %c0_i32_0 = arith.constant 0 : i32
    return %c0_i32 : i32
  }
  func.func @transform_7(%arg0: i32) -> (i32, i32) {
    %c0_i32 = arith.constant 0 : i32
    %c0_i32_0 = arith.constant 0 : i32
    %c0_i32_1 = arith.constant 0 : i32
    return %c0_i32, %c0_i32_0 : i32, i32
  }
}

</mosaic_0001>

<sc_bundles>
// kernel: kernel.6.cloned.1.call-start
scs
__scs_entry_jumppad:
0x0: {  	(pc) =	sbr.rel $0x88, $3  }
0x1: {  	(tag) =	ssettag $0x0;
	lr =	simm.s32 $0x1  }
0x2: {  	[smem:$0x3F97] =	sst lr;
	_ =	strace $0xD0000000  }
0x3: {  	_ = 	snop  }
0x4: {  	_ = 	snop  }
0x5: {  	_ = 	snop  }
0x6: {  	_ = 	snop  }
0x7: {  	_ = 	snop  }
__scs_overlays_trampoline_lowered:
0x8: {  	[smem:$0x3FA6] =	sst s0  }
0x9: {  	[smem:$0x3FA7] =	sst s1  }
0xa: {  	[smem:$0x3FA8] =	sst s2  }
0xb: {  	[smem:$0x3FA9] =	sst s3  }
0xc: {  	[smem:$0x3FAA] =	sst s4  }
0xd: {  	[smem:$0x3FAB] =	sst s5  }
0xe: {  	[smem:$0x3FAC] =	sst s6  }
0xf: {  	[smem:$0x3FAD] =	sst s7  }
0x10: {  	[smem:$0x3FAE] =	sst s8  }
0x11: {  	[smem:$0x3FAF] =	sst s9;
	s0 =	simm.s32 @!p0 $0x0  }
0x12: {  	s1 =	sld [smem:$0x3F95];
	s0 =	simm.s32 @p0 $0x1  }
0x13: {  	[smem:$0x3FB0] =	sst s0;
	s0 =	simm.s32 @!p1 $0x0  }
0x14: {  	s2 =	sld [smem:$0x3F94];
	s0 =	simm.s32 @p1 $0x1  }
0x15: {  	[smem:$0x3FB1] =	sst s0;
	s0 =	simm.s32 @!p2 $0x0  }
0x16: {  	s3 =	sld [smem:$0x3FDB];
	s0 =	simm.s32 @p2 $0x1  }
0x17: {  	s4 =	simm.s32 $0x1BF5;
	[smem:$0x3FB3] =	sst s0  }
0x18: {  	s0 =	sld [smem:$0x3F96];
	_ =	swait.ge [sflag:s4], $0x0  }
0x19: {  	s7 =	sld [smem:$0x3F97]  }
0x1a: {  	s8 =	sadd.s32 $0xFFFFE003, lr  }
0x1b: {  	s9 =	sadd.s32 $0xFFFFFEF7, lr;
	s5 =	simm.s32 $0xFFFFFFFF;
	p2 =	slt.u32 s8, $0xFFFFF086  }
0x1c: {  	p1 =	slt.u32 s9, $0xF7A;
	s5 =	simm.s32 @!p2 $0x0  }
0x1d: {  	s5 =	simm.s32 @p1 $0x1;
	p0 =	seq.s32 s7, s2  }
0x1e: {  	s7 =	smul.u32 @!p0 $0xF7A, s2;
	p2 =	seq.s32 @!p0 s5, $0x0  }
0x1f: {  	s9 =	smul.u32 $0xF7A, s1;
	s8 =	simm.s32 @!p0 $0x1BF5;
	p2 =	por !p2, p0  }
0x20: {  	[sflag:s8] =	ssyncset.s32 @!p0 $0xFFFFF086;
	s6 =	sadd.s32 @!p0 s3, s7;
	s7 =	simm.s32 @!p0 $0x108  }
0x21: {  	s3 =	sadd.s32 s3, s9;
	s6 =	sadd.s32 @!p0 $0x88, s6;
	s7 =	simm.s32 @p2 $0x1082  }
0x22: {  	[simem:s7], [sflag:s8] =	dma.local @!p0 [hbm:s6], $0xF7A  }
0x23: {  	s9 =	sor.u32 $0xD0000000, s2;
	s6 =	simm.s32 $0x108;
	_ =	swait.ge @!p0 [sflag:s8], $0x0  }
0x24: {  	s3 =	sadd.s32 $0x88, s3;
	s6 =	simm.s32 @!p1 $0x1082;
	[sflag:s4] =	ssyncset.s32 $0xFFFFF086  }
0x25: {  	[simem:s6], [sflag:s4] =	dma.local [hbm:s3], $0xF7A  }
0x26: {  	[smem:$0x3F97] =	sst s1;
	(tag) =	ssettag s2;
	_ =	strace s9  }
0x27: {  	s1 =	sld [smem:$0x3FA7]  }
0x28: {  	s2 =	sld [smem:$0x3FA8]  }
0x29: {  	s4 =	sld [smem:$0x3FAA]  }
0x2a: {  	p0 =	seq.s32 s5, $0x0;
	s5 =	sld [smem:$0x3FAB]  }
0x2b: {  	s6 =	sld [smem:$0x3FAC]  }
0x2c: {  	s7 =	sld [smem:$0x3FAD]  }
0x2d: {  	s3 =	simm.s32 $0x108;
	s8 =	sld [smem:$0x3FAE]  }
0x2e: {  	s3 =	simm.s32 @!p0 $0x1082;
	s9 =	sld [smem:$0x3FAF]  }
0x2f: {  	lr =	sadd.s32 s0, s3;
	s0 =	sld [smem:$0x3FA6]  }
0x30: {  	s3 =	sld [smem:$0x3FA9]  }
0x31: {  	[smem:$0x3FB2] =	sst s10  }
0x32: {  	s10 =	sld [smem:$0x3FB0];
	_ =	sdelay $0x3  }
0x33: {  	p0 =	seq.s32 s10, $0x1;
	s10 =	sld [smem:$0x3FB2];
	_ =	sdelay $0x3  }
0x34: {  	[smem:$0x3FB2] =	sst s10  }
0x35: {  	s10 =	sld [smem:$0x3FB1];
	_ =	sdelay $0x3  }
0x36: {  	p1 =	seq.s32 s10, $0x1;
	s10 =	sld [smem:$0x3FB2];
	_ =	sdelay $0x3  }
0x37: {  	[smem:$0x3FB2] =	sst s10  }
0x38: {  	s10 =	sld [smem:$0x3FB3]  }
0x39: {  	_ = 	snop;
	(pc) =	sbr.ind lr, $3  }
0x3a: {  	_ = 	snop  }
0x3b: {  	_ = 	snop  }
0x3c: {  	p2 =	seq.s32 s10, $0x1;
	s10 =	sld [smem:$0x3FB2]  }
0x3d: {  	_ =	shalt  }
0x3e: {  	_ =	shalt  }
0x3f: {  	_ =	shalt  }
0x40: {  	_ =	shalt  }
0x41: {  	_ =	shalt  }
0x42: {  	_ =	shalt  }
0x43: {  	_ =	shalt  }
0x44: {  	_ =	shalt  }
0x45: {  	_ =	shalt  }
0x46: {  	_ =	shalt  }
0x47: {  	_ =	shalt  }
0x48: {  	_ =	shalt  }
0x49: {  	_ =	shalt  }
0x4a: {  	_ =	shalt  }
0x4b: {  	_ =	shalt  }
0x4c: {  	_ =	shalt  }
0x4d: {  	_ =	shalt  }
0x4e: {  	_ =	shalt  }
0x4f: {  	_ =	shalt  }
0x50: {  	_ =	shalt  }
0x51: {  	_ =	shalt  }
0x52: {  	_ =	shalt  }
0x53: {  	_ =	shalt  }
0x54: {  	_ =	shalt  }
0x55: {  	_ =	shalt  }
0x56: {  	_ =	shalt  }
0x57: {  	_ =	shalt  }
0x58: {  	_ =	shalt  }
0x59: {  	_ =	shalt  }
0x5a: {  	_ =	shalt  }
0x5b: {  	_ =	shalt  }
0x5c: {  	_ =	shalt  }
0x5d: {  	_ =	shalt  }
0x5e: {  	_ =	shalt  }
0x5f: {  	_ =	shalt  }
0x60: {  	_ =	shalt  }
0x61: {  	_ =	shalt  }
0x62: {  	_ =	shalt  }
0x63: {  	_ =	shalt  }
0x64: {  	_ =	shalt  }
0x65: {  	_ =	shalt  }
0x66: {  	_ =	shalt  }
0x67: {  	_ =	shalt  }
0x68: {  	_ =	shalt  }
0x69: {  	_ =	shalt  }
0x6a: {  	_ =	shalt  }
0x6b: {  	_ =	shalt  }
0x6c: {  	_ =	shalt  }
0x6d: {  	_ =	shalt  }
0x6e: {  	_ =	shalt  }
0x6f: {  	_ =	shalt  }
0x70: {  	_ =	shalt  }
0x71: {  	_ =	shalt  }
0x72: {  	_ =	shalt  }
0x73: {  	_ =	shalt  }
0x74: {  	_ =	shalt  }
0x75: {  	_ =	shalt  }
0x76: {  	_ =	shalt  }
0x77: {  	_ =	shalt  }
0x78: {  	_ =	shalt  }
0x79: {  	_ =	shalt  }
0x7a: {  	_ =	shalt  }
0x7b: {  	_ =	shalt  }
0x7c: {  	_ =	shalt  }
0x7d: {  	_ =	shalt  }
0x7e: {  	_ =	shalt  }
0x7f: {  	_ =	shalt  }
0x80: {  	_ =	shalt  }
0x81: {  	_ =	shalt  }
0x82: {  	_ =	shalt  }
0x83: {  	_ =	shalt  }
0x84: {  	_ =	shalt  }
0x85: {  	_ =	shalt  }
0x86: {  	_ =	shalt  }
0x87: {  	_ =	shalt  }
.Lfunc_end0:
.L_simem_size_0:
called_computation_lowered:
.L_overlay_start_0:
0x88: {  	s2 =	sld [smem:$0x3FD9]  }
0x89: {  	s3 =	sld [smem:$0x3FFE];
	_ =	sdelay $0x1  }
0x8a: {  	s1 =	srdreg.scid  }
0x8b: {  	s0 =	sand.u32 $0x1, s1  }
0x8c: {  	s16 =	sshll.u32 s0, $0xA;
	s2 =	sadd.s32 s3, s2  }
0x8d: {  	s2 =	sadd.s32 s2, s16  }
0x8e: {  	[smem:$0x3FBE] =	sst s2  }
0x8f: {  	_ = 	snop  }
0x90: {  	(tm) =	ssettm $0x1  }
0x91: {  	s17 =	sld [smem:$0x3FFB];
	_ =	sdelay $0x3  }
0x92: {  	_ =	strace s17  }
0x93: {  	s2 =	sld [smem:$0x3FFC];
	_ =	sdelay $0x3  }
0x94: {  	_ =	strace s2  }
0x95: {  	s2 =	sld [smem:$0x3FFD];
	_ =	sdelay $0x3  }
0x96: {  	_ =	strace s2  }
0x97: {  	_ =	strace $0x8FFFFFFF  }
0x98: {  	s18 =	sld [smem:$0x3FDB];
	_ =	sdelay $0x1  }
0x99: {  	s19 =	simm.s32 $_scs_section_size  }
0x9a: {  	s4 =	simm.s32 $_size__tile_overlayer_lowered;
	s5 =	simm.s32 $_tile_overlayer_lowered  }
0x9b: {  	s22 =	simm.s32 $0x1BFF;
	s21 =	sshll.u32 s5, $0x1;
	s2 =	sadd.s32 s19, s18  }
0x9c: {  	s6 =	simm.s32 $0x0;
	s20 =	sshll.u32 s4, $0x1;
	s4 =	sadd.s32 s21, s2  }
0x9d: {  	[timem:s6], [sflag:s22] =	dma.local [hbm:s4], s20  }
0x9e: {  	_ =	swait.ge [sflag:s22], s20  }
0x9f: {  	s3 =	ssub.s32 $0x0, s20;
	[sflag:s22] =	ssyncset.done $0x0  }
0xa0: {  	[sflag:s22] =	ssyncadd.s32 s3;
	_ =	sdelay $0x1  }
0xa1: {  	s23 =	simm.s32 $0x1B8B  }
0xa2: {  	_ =	swait.ge [sflag:s23], $0x1  }
0xa3: {  	[sflag:s23] =	ssyncset.done $0x0  }
0xa4: {  	s25 =	simm.s32 $0x1B8E;
	s24 =	sld [smem:$0x3FFE];
	[sflag:s23] =	ssyncadd.s32 $0xFFFFFFFF  }
0xa5: {  	s26 =	simm.s32 $execute0_lowered;
	[smem:$0x3FD2] =	sst s25  }
0xa6: {  	s4 =	sshll.u32 s26, $0x1;
	_ =	strace $0x80000046;
	[dreg:$0x1] =	wrdreg $0xFFFFFFFF  }
0xa7: {  	s28 =	simm.s32 $_size_execute0_lowered;
	s2 =	sadd.s32 s2, s4;
	[dreg:$0x0] =	wrdreg $0x0  }
0xa8: {  	s4 =	sshll.u32 s28, $0x1;
	[dreg:$0x2] =	wrdreg s2  }
0xa9: {  	[dreg:$0x3] =	wrdreg s4  }
0xaa: {  	[dreg:$0x4] =	wrdreg $0xC0  }
0xab: {  	_ =	task [dreg:s6], $0x5FFFF  }
0xac: {  	[dreg:$0x1] =	wrdreg $0xFFFFFFFF  }
0xad: {  	[dreg:$0x0] =	wrdreg $0x60  }
0xae: {  	[dreg:$0x2] =	wrdreg s24  }
0xaf: {  	[dreg:$0x3] =	wrdreg $0x79000  }
0xb0: {  	[dreg:$0x4] =	wrdreg $0x9  }
0xb1: {  	_ =	task.clear_ibuf [dreg:s6], $0x5FFFF;
	_ =	strace $0x90000046  }
0xb2: {  	s29 =	simm.s32 $0x9;
	_ =	strace $0x80000048  }
0xb3: {  	_ =	swait.ge [sflag:s29], $0x1  }
0xb4: {  	[sflag:s29] =	ssyncadd.s32 $0xFFFFFFFF  }
0xb5: {  	_ =	strace $0x90000048  }
0xb6: {  	_ =	sfence  }
0xb7: {  	s30 =	sld [smem:$0x0];
	_ =	sdelay $0x2  }
0xb8: {  	s31 =	sshll.u32 s1, $0xD;
	s1 =	sshrl.u32 s1, $0x2  }
0xb9: {  	s3 =	sand.u32 $0x4000, s31;
	s1 =	sadd.s32 s1, s30  }
0xba: {  	s0 =	sor.u32 s3, s0;
	s1 =	sshll.u32 s1, $0x11  }
0xbb: {  	s0 =	sor.u32 s1, s0  }
0xbc: {  	s0 =	sadd.s32 $0x8F2B, s0  }
0xbd: {  	[sflag:s0] =	ssyncadd.remote.s32 $0x1  }
0xbe: {  	_ =	sfence.sel $0xFFFF  }
0xbf: {  	[dreg:$0x0] =	wrdreg $0xFFFFFFFF;
	(pc) =	sbr.abs _section_cstart, $3  }
0xc0: {  	[dreg:$0x1] =	wrdreg $0xFFFFFFFF  }
0xc1: {  	_ =	task.clear_ibuf [dreg:s6], $0x2FFFF;
	_ =	strace $0x9FFFFFFF  }
0xc2: {  	(tm) =	ssettm $0x7FFFFFFF  }
0xc3: {  	_ =	shalt  }
tec
execute0_lowered:
.L_overlay_start_1:
0x0: {  	(tag) =	ssettag $0x1  }
0x1: {  	s5 =	rddreg [dreg:$0x0]  }
0x2: {  	s4 =	rddreg [dreg:$0x1]  }
0x3: {  	s0 =	rddreg [dreg:$0x2];
	s1 =	stileid.u32  }
0x4: {  	s3 =	srdreg.scid;
	s2 =	simm.s32 $0x0;
	s6 =	smul.u32 $0x500, s1  }
0x5: {  	s11 =	simm.s32 $0x2600;
	s12 =	simm.s32 $0x100;
	s9 =	smul.u32 $0xA000, s1  }
0x6: {  	s13 =	simm.s32 $0x0;
	s3 =	sand.u32 $0x1, s3;
	s29 =	smul.u32 $0xA00, s1  }
0x7: {  	[smem:$0x7FF] =	sst s2;
	s10 =	smul.u32 $0x9C4, s1;
	s7 =	sshll.u32 s3, $0x7  }
0x8: {  	_ =	strace $0x80000047;
	s28 =	ssub.s32 $0x2, s3;
	p0 =	seq.s32 s3, $0x1  }
0x9: {  	s6 =	sor.u32 s7, s6;
	s8 =	sshrl.u32 s28, $0x1;
	s30 =	sshrl.u32 s9, $0x2  }
0xa: {  	s11 =	simm.s32 @!p0 $0xC400;
	s9 =	simm.s32 $0x4E80;
	s6 =	sshrl.u32 s6, $0x3  }
0xb: {  	s7 =	ssub.s32 s28, s8;
	s8 =	sshrl.u32 s29, $0x2;
	s3 =	sadd.s32 s30, s4  }
0xc: {  	s31 =	sadd.s32 s11, s5;
	s11 =	simm.s32 $0x80;
	s6 =	sadd.s32 s6, s5  }
0xd: {  	s4 =	sadd.s32 s8, s4;
	s8 =	simm.s32 $0x1;
	s5 =	sadd.s32 $0x16200, s6  }
0xe: {  	v0 =	vimm.s32 $0x0;
	v1 =	vimm.s32 $0x1;
	s6 =	smax.u32 s7, $0x1;
	s7 =	sadd.s32 s31, s10;
	s10 =	simm.s32 $0x7680  }
.LBB2_1:
0xf: {  	[tilespmem:s2], [sflag:$0x1] =	stream.linear.gather [hbm4b:s7+s2], $0x4E20, $0x38;
	[tilespmem:$0xA100] =	vst v63  }
0x10: {  	_ =	swait.ge [sflag:s8], $0x4E20  }
0x11: {  	[sflag:s8] =	ssyncset.done $0x0  }
0x12: {  	s14 =	simm.s32 $0x0;
	[sflag:s8] =	ssyncadd.s32 $0xFFFFB1E0  }
.LBB2_2:
0x13: {  	p0 =	sne.s32 s14, $0x9FC0  }
.Ltmp0:
0x14: {  	_ = 	snop;
	(pc) =	sbr.rel @p0 .LBB2_2-.Ltmp0, $3  }
0x15: {  	_ =	sdelay $0x1  }
0x16: {  	s15 =	sshra.s32 s14, $0x2  }
0x17: {  	s14 =	sadd.s32 $0x40, s14;
	[tilespmem:s15+$0x4E80] =	vst v0  }
0x18: {  	s15 =	simm.s32 $0x0;
	s14 =	simm.s32 $0x40  }
.LBB2_4:
0x19: {  	p0 =	sne.s32 s14, $0x13840;
	v2 =	vld [tilespmem:s15+$0x0];
	_ =	sdelay $0x3  }
.Ltmp1:
0x1a: {  	(pc) =	sbr.rel @p0 .LBB2_4-.Ltmp1, $2  }
0x1b: {  	_ =	sdelay $0x2  }
0x1c: {  	s15 =	sshra.s32 s14, $0x2;
	s14 =	sadd.s32 $0x40, s14;
	[tilespmem:v2+s9+$0x0] =	vst.idx.add.s32.msk $0xffff, v1  }
0x1d: {  	v2 =	vld [tilespmem:s15+$0x0];
	_ =	sdelay $0x7  }
0x1e: {  	s14 =	simm.s32 $0x1;
	[tilespmem:v2+s9+$0x0] =	vst.idx.add.s32.msk $0xffff, v1  }
0x1f: {  	[spmem:s3] =	stream.linear.scatter [tilespmem:s9], [sflag:$0x1], $0x2800, $0x38;
	[tilespmem:$0xA100] =	vst v63  }
0x20: {  	_ =	swait.ge [sflag:s14], $0x2800  }
0x21: {  	[sflag:s14] =	ssyncset.done $0x0  }
0x22: {  	[sflag:s14] =	ssyncadd.s32 $0xFFFFD800  }
0x23: {  	[bflag:$0x0] =	sbarrier.arrive $0xFFFF  }
0x24: {  	[tilespmem:s9], [sflag:$0x1] =	stream.linear.gather [spmem:s4], $0x280, $0x38;
	[tilespmem:$0xA100] =	vst v63  }
0x25: {  	_ =	swait.ge [sflag:s14], $0x280  }
0x26: {  	[sflag:s14] =	ssyncset.done $0x0  }
0x27: {  	[sflag:s14] =	ssyncadd.s32 $0xFFFFFD80  }
.LBB2_6:
0x28: {  	s15 =	smul.u32 $0xA000, s14;
	_ =	sdelay $0x1  }
0x29: {  	s15 =	sshra.s32 s15, $0x2  }
0x2a: {  	s15 =	sadd.s32 s15, s4  }
0x2b: {  	[tilespmem:s10], [sflag:$0x1] =	stream.linear.gather [spmem:s15], $0x280, $0x38;
	[tilespmem:$0xA100] =	vst v63  }
0x2c: {  	_ =	swait.ge [sflag:s8], $0x280  }
0x2d: {  	[sflag:s8] =	ssyncset.done $0x0  }
0x2e: {  	s15 =	simm.s32 $0x0;
	[sflag:s8] =	ssyncadd.s32 $0xFFFFFD80  }
0x2f: {  	s16 =	simm.s32 $0x40;
	v2 =	vld [tilespmem:s15+$0x7680]  }
.LBB2_7:
0x30: {  	p0 =	sne.s32 s16, $0x9C0;
	v3 =	vld [tilespmem:s15+$0x4E80];
	_ =	sdelay $0x1  }
.Ltmp2:
0x31: {  	(pc) =	sbr.rel @p0 .LBB2_7-.Ltmp2, $3  }
0x32: {  	_ =	sdelay $0x1  }
0x33: {  	s17 =	sshra.s32 s16, $0x2;
	v3 =	vadd.s32 v3, v2  }
0x34: {  	s16 =	sadd.s32 $0x40, s16;
	v2 =	vld [tilespmem:s17+$0x7680];
	[tilespmem:s15+$0x4E80] =	vst v3;
	s15 =	smov.u32 s17  }
0x35: {  	v3 =	vld [tilespmem:s15+$0x4E80];
	s14 =	sadd.s32 $0x1, s14  }
0x36: {  	p0 =	sne.s32 s14, $0x10  }
.Ltmp3:
0x37: {  	_ = 	snop;
	(pc) =	sbr.rel @p0 .LBB2_6-.Ltmp3, $3  }
0x38: {  	_ =	sdelay $0x1  }
0x39: {  	v2 =	vadd.s32 v3, v2  }
0x3a: {  	[tilespmem:s15+$0x4E80] =	vst v2  }
0x3b: {  	s13 =	sadd.s32 $0x1, s13  }
0x3c: {  	p0 =	sne.s32 s13, s6  }
.Ltmp4:
0x3d: {  	_ = 	snop;
	(pc) =	sbr.rel @p0 .LBB2_1-.Ltmp4, $4  }
0x3e: {  	[hbm4b:s5+s11] =	stream.strided.scatter [tilespmem:s9], [sflag:$0x1], $0x280, s12, s11, $0x38;
	[tilespmem:$0xA100] =	vst v63  }
0x3f: {  	_ =	swait.ge [sflag:s8], $0x280  }
0x40: {  	[sflag:s8] =	ssyncset.done $0x0  }
0x41: {  	[sflag:s8] =	ssyncadd.s32 $0xFFFFFD80  }
0x42: {  	_ =	sfence.sel $0x180000  }
0x43: {  	[bflag:$0x0] =	sbarrier.arrive $0xFFFF  }
0x44: {  	p0 =	sne.s32 s1, $0x0;
	_ =	strace $0x90000047  }
0x45: {  	s0 =	sadd.s32 @!p0 $0x100000, s0;
	[bflag:$0x2] =	sbarrier.arrive $0xFFFF  }
0x46: {  	[sflag:s0] =	ssyncadd.tile.s32 @!p0 $0x1;
	_ =	shalt  }
.Lfunc_end2:
_tile_overlayer_lowered:
.L_overlay_start_2:
0x47: {  	(tag) =	ssettag $0x2  }
0x48: {  	s0 =	rddreg [dreg:$0x0];
	s2 =	stileid.u32  }
0x49: {  	s1 =	rddreg [dreg:$0x1];
	p0 =	sne.s32 s2, $0x0  }
0x4a: {  	s3 =	rddreg [dreg:$0x2];
	[bflag:$0x3] =	sbarrier.arrive $0xFFFF;
	s2 =	simm.s32 @!p0 $0x1C01  }
0x4b: {  	[timem:s3], [sflag:s2] =	dma.local @!p0 [hbm:s0], s1  }
0x4c: {  	s0 =	simm.s32 @!p0 $0x1  }
0x4d: {  	_ =	swait.ge @!p0 [sflag:s0], s1  }
0x4e: {  	s1 =	ssub.s32 @!p0 $0x0, s1;
	[sflag:s0] =	ssyncset.done @!p0 $0x0  }
0x4f: {  	[sflag:s0] =	ssyncadd.s32 @!p0 s1  }
0x50: {  	[bflag:$0x3] =	sbarrier.arrive $0xFFFF  }
0x51: {  	_ =	shalt  }

// kernel: kernel.9.cloned.1.call-start
scs
__scs_entry_jumppad:
0x0: {  	(pc) =	sbr.rel $0x88, $3  }
0x1: {  	(tag) =	ssettag $0x0;
	lr =	simm.s32 $0x1  }
0x2: {  	[smem:$0x3F97] =	sst lr;
	_ =	strace $0xD0000000  }
0x3: {  	_ = 	snop  }
0x4: {  	_ = 	snop  }
0x5: {  	_ = 	snop  }
0x6: {  	_ = 	snop  }
0x7: {  	_ = 	snop  }
__scs_overlays_trampoline_lowered:
0x8: {  	[smem:$0x3FA6] =	sst s0  }
0x9: {  	[smem:$0x3FA7] =	sst s1  }
0xa: {  	[smem:$0x3FA8] =	sst s2  }
0xb: {  	[smem:$0x3FA9] =	sst s3  }
0xc: {  	[smem:$0x3FAA] =	sst s4  }
0xd: {  	[smem:$0x3FAB] =	sst s5  }
0xe: {  	[smem:$0x3FAC] =	sst s6  }
0xf: {  	[smem:$0x3FAD] =	sst s7  }
0x10: {  	[smem:$0x3FAE] =	sst s8  }
0x11: {  	[smem:$0x3FAF] =	sst s9;
	s0 =	simm.s32 @!p0 $0x0  }
0x12: {  	s1 =	sld [smem:$0x3F95];
	s0 =	simm.s32 @p0 $0x1  }
0x13: {  	[smem:$0x3FB0] =	sst s0;
	s0 =	simm.s32 @!p1 $0x0  }
0x14: {  	s2 =	sld [smem:$0x3F94];
	s0 =	simm.s32 @p1 $0x1  }
0x15: {  	[smem:$0x3FB1] =	sst s0;
	s0 =	simm.s32 @!p2 $0x0  }
0x16: {  	s3 =	sld [smem:$0x3FDB];
	s0 =	simm.s32 @p2 $0x1  }
0x17: {  	s4 =	simm.s32 $0x1BF5;
	[smem:$0x3FB3] =	sst s0  }
0x18: {  	s0 =	sld [smem:$0x3F96];
	_ =	swait.ge [sflag:s4], $0x0  }
0x19: {  	s7 =	sld [smem:$0x3F97]  }
0x1a: {  	s8 =	sadd.s32 $0xFFFFE003, lr  }
0x1b: {  	s9 =	sadd.s32 $0xFFFFFEF7, lr;
	s5 =	simm.s32 $0xFFFFFFFF;
	p2 =	slt.u32 s8, $0xFFFFF086  }
0x1c: {  	p1 =	slt.u32 s9, $0xF7A;
	s5 =	simm.s32 @!p2 $0x0  }
0x1d: {  	s5 =	simm.s32 @p1 $0x1;
	p0 =	seq.s32 s7, s2  }
0x1e: {  	s7 =	smul.u32 @!p0 $0xF7A, s2;
	p2 =	seq.s32 @!p0 s5, $0x0  }
0x1f: {  	s9 =	smul.u32 $0xF7A, s1;
	s8 =	simm.s32 @!p0 $0x1BF5;
	p2 =	por !p2, p0  }
0x20: {  	[sflag:s8] =	ssyncset.s32 @!p0 $0xFFFFF086;
	s6 =	sadd.s32 @!p0 s3, s7;
	s7 =	simm.s32 @!p0 $0x108  }
0x21: {  	s3 =	sadd.s32 s3, s9;
	s6 =	sadd.s32 @!p0 $0x88, s6;
	s7 =	simm.s32 @p2 $0x1082  }
0x22: {  	[simem:s7], [sflag:s8] =	dma.local @!p0 [hbm:s6], $0xF7A  }
0x23: {  	s9 =	sor.u32 $0xD0000000, s2;
	s6 =	simm.s32 $0x108;
	_ =	swait.ge @!p0 [sflag:s8], $0x0  }
0x24: {  	s3 =	sadd.s32 $0x88, s3;
	s6 =	simm.s32 @!p1 $0x1082;
	[sflag:s4] =	ssyncset.s32 $0xFFFFF086  }
0x25: {  	[simem:s6], [sflag:s4] =	dma.local [hbm:s3], $0xF7A  }
0x26: {  	[smem:$0x3F97] =	sst s1;
	(tag) =	ssettag s2;
	_ =	strace s9  }
0x27: {  	s1 =	sld [smem:$0x3FA7]  }
0x28: {  	s2 =	sld [smem:$0x3FA8]  }
0x29: {  	s4 =	sld [smem:$0x3FAA]  }
0x2a: {  	p0 =	seq.s32 s5, $0x0;
	s5 =	sld [smem:$0x3FAB]  }
0x2b: {  	s6 =	sld [smem:$0x3FAC]  }
0x2c: {  	s7 =	sld [smem:$0x3FAD]  }
0x2d: {  	s3 =	simm.s32 $0x108;
	s8 =	sld [smem:$0x3FAE]  }
0x2e: {  	s3 =	simm.s32 @!p0 $0x1082;
	s9 =	sld [smem:$0x3FAF]  }
0x2f: {  	lr =	sadd.s32 s0, s3;
	s0 =	sld [smem:$0x3FA6]  }
0x30: {  	s3 =	sld [smem:$0x3FA9]  }
0x31: {  	[smem:$0x3FB2] =	sst s10  }
0x32: {  	s10 =	sld [smem:$0x3FB0];
	_ =	sdelay $0x3  }
0x33: {  	p0 =	seq.s32 s10, $0x1;
	s10 =	sld [smem:$0x3FB2];
	_ =	sdelay $0x3  }
0x34: {  	[smem:$0x3FB2] =	sst s10  }
0x35: {  	s10 =	sld [smem:$0x3FB1];
	_ =	sdelay $0x3  }
0x36: {  	p1 =	seq.s32 s10, $0x1;
	s10 =	sld [smem:$0x3FB2];
	_ =	sdelay $0x3  }
0x37: {  	[smem:$0x3FB2] =	sst s10  }
0x38: {  	s10 =	sld [smem:$0x3FB3]  }
0x39: {  	_ = 	snop;
	(pc) =	sbr.ind lr, $3  }
0x3a: {  	_ = 	snop  }
0x3b: {  	_ = 	snop  }
0x3c: {  	p2 =	seq.s32 s10, $0x1;
	s10 =	sld [smem:$0x3FB2]  }
0x3d: {  	_ =	shalt  }
0x3e: {  	_ =	shalt  }
0x3f: {  	_ =	shalt  }
0x40: {  	_ =	shalt  }
0x41: {  	_ =	shalt  }
0x42: {  	_ =	shalt  }
0x43: {  	_ =	shalt  }
0x44: {  	_ =	shalt  }
0x45: {  	_ =	shalt  }
0x46: {  	_ =	shalt  }
0x47: {  	_ =	shalt  }
0x48: {  	_ =	shalt  }
0x49: {  	_ =	shalt  }
0x4a: {  	_ =	shalt  }
0x4b: {  	_ =	shalt  }
0x4c: {  	_ =	shalt  }
0x4d: {  	_ =	shalt  }
0x4e: {  	_ =	shalt  }
0x4f: {  	_ =	shalt  }
0x50: {  	_ =	shalt  }
0x51: {  	_ =	shalt  }
0x52: {  	_ =	shalt  }
0x53: {  	_ =	shalt  }
0x54: {  	_ =	shalt  }
0x55: {  	_ =	shalt  }
0x56: {  	_ =	shalt  }
0x57: {  	_ =	shalt  }
0x58: {  	_ =	shalt  }
0x59: {  	_ =	shalt  }
0x5a: {  	_ =	shalt  }
0x5b: {  	_ =	shalt  }
0x5c: {  	_ =	shalt  }
0x5d: {  	_ =	shalt  }
0x5e: {  	_ =	shalt  }
0x5f: {  	_ =	shalt  }
0x60: {  	_ =	shalt  }
0x61: {  	_ =	shalt  }
0x62: {  	_ =	shalt  }
0x63: {  	_ =	shalt  }
0x64: {  	_ =	shalt  }
0x65: {  	_ =	shalt  }
0x66: {  	_ =	shalt  }
0x67: {  	_ =	shalt  }
0x68: {  	_ =	shalt  }
0x69: {  	_ =	shalt  }
0x6a: {  	_ =	shalt  }
0x6b: {  	_ =	shalt  }
0x6c: {  	_ =	shalt  }
0x6d: {  	_ =	shalt  }
0x6e: {  	_ =	shalt  }
0x6f: {  	_ =	shalt  }
0x70: {  	_ =	shalt  }
0x71: {  	_ =	shalt  }
0x72: {  	_ =	shalt  }
0x73: {  	_ =	shalt  }
0x74: {  	_ =	shalt  }
0x75: {  	_ =	shalt  }
0x76: {  	_ =	shalt  }
0x77: {  	_ =	shalt  }
0x78: {  	_ =	shalt  }
0x79: {  	_ =	shalt  }
0x7a: {  	_ =	shalt  }
0x7b: {  	_ =	shalt  }
0x7c: {  	_ =	shalt  }
0x7d: {  	_ =	shalt  }
0x7e: {  	_ =	shalt  }
0x7f: {  	_ =	shalt  }
0x80: {  	_ =	shalt  }
0x81: {  	_ =	shalt  }
0x82: {  	_ =	shalt  }
0x83: {  	_ =	shalt  }
0x84: {  	_ =	shalt  }
0x85: {  	_ =	shalt  }
0x86: {  	_ =	shalt  }
0x87: {  	_ =	shalt  }
.Lfunc_end0:
.L_simem_size_0:
called_computation.1_lowered:
.L_overlay_start_0:
0x88: {  	s2 =	sld [smem:$0x3FD9]  }
0x89: {  	s3 =	sld [smem:$0x3FFE];
	_ =	sdelay $0x1  }
0x8a: {  	s1 =	srdreg.scid  }
0x8b: {  	s0 =	sand.u32 $0x1, s1  }
0x8c: {  	s16 =	sshll.u32 s0, $0xA;
	s2 =	sadd.s32 s3, s2  }
0x8d: {  	s2 =	sadd.s32 s2, s16  }
0x8e: {  	[smem:$0x3FBE] =	sst s2  }
0x8f: {  	_ = 	snop  }
0x90: {  	(tm) =	ssettm $0x1  }
0x91: {  	s17 =	sld [smem:$0x3FFB];
	_ =	sdelay $0x3  }
0x92: {  	_ =	strace s17  }
0x93: {  	s2 =	sld [smem:$0x3FFC];
	_ =	sdelay $0x3  }
0x94: {  	_ =	strace s2  }
0x95: {  	s2 =	sld [smem:$0x3FFD];
	_ =	sdelay $0x3  }
0x96: {  	_ =	strace s2  }
0x97: {  	_ =	strace $0x8FFFFFFF  }
0x98: {  	s18 =	sld [smem:$0x3FDB];
	_ =	sdelay $0x1  }
0x99: {  	s19 =	simm.s32 $_scs_section_size  }
0x9a: {  	s4 =	simm.s32 $_size__tile_overlayer_lowered;
	s5 =	simm.s32 $_tile_overlayer_lowered  }
0x9b: {  	s22 =	simm.s32 $0x1BFF;
	s21 =	sshll.u32 s5, $0x1;
	s2 =	sadd.s32 s19, s18  }
0x9c: {  	s6 =	simm.s32 $0x0;
	s20 =	sshll.u32 s4, $0x1;
	s4 =	sadd.s32 s21, s2  }
0x9d: {  	[timem:s6], [sflag:s22] =	dma.local [hbm:s4], s20  }
0x9e: {  	_ =	swait.ge [sflag:s22], s20  }
0x9f: {  	s3 =	ssub.s32 $0x0, s20;
	[sflag:s22] =	ssyncset.done $0x0  }
0xa0: {  	[sflag:s22] =	ssyncadd.s32 s3;
	_ =	sdelay $0x1  }
0xa1: {  	s23 =	simm.s32 $0x1B8B  }
0xa2: {  	_ =	swait.ge [sflag:s23], $0x1  }
0xa3: {  	[sflag:s23] =	ssyncset.done $0x0  }
0xa4: {  	s25 =	simm.s32 $0x1B8E;
	s24 =	sld [smem:$0x3FFE];
	[sflag:s23] =	ssyncadd.s32 $0xFFFFFFFF  }
0xa5: {  	s26 =	simm.s32 $execute0_lowered;
	[smem:$0x3FD2] =	sst s25  }
0xa6: {  	s4 =	sshll.u32 s26, $0x1;
	_ =	strace $0x80000049;
	[dreg:$0x1] =	wrdreg $0xFFFFFFFF  }
0xa7: {  	s28 =	simm.s32 $_size_execute0_lowered;
	s2 =	sadd.s32 s2, s4;
	[dreg:$0x0] =	wrdreg $0x0  }
0xa8: {  	s4 =	sshll.u32 s28, $0x1;
	[dreg:$0x2] =	wrdreg s2  }
0xa9: {  	[dreg:$0x3] =	wrdreg s4  }
0xaa: {  	[dreg:$0x4] =	wrdreg $0xC0  }
0xab: {  	_ =	task [dreg:s6], $0x5FFFF  }
0xac: {  	[dreg:$0x1] =	wrdreg $0xFFFFFFFF  }
0xad: {  	[dreg:$0x0] =	wrdreg $0x60  }
0xae: {  	[dreg:$0x2] =	wrdreg s24  }
0xaf: {  	[dreg:$0x3] =	wrdreg $0xA1800  }
0xb0: {  	[dreg:$0x4] =	wrdreg $0xA4000  }
0xb1: {  	[dreg:$0x5] =	wrdreg $0x9  }
0xb2: {  	_ =	task.clear_ibuf [dreg:s6], $0x6FFFF;
	_ =	strace $0x90000049  }
0xb3: {  	s29 =	simm.s32 $0x9;
	_ =	strace $0x8000004B  }
0xb4: {  	_ =	swait.ge [sflag:s29], $0x1  }
0xb5: {  	[sflag:s29] =	ssyncadd.s32 $0xFFFFFFFF  }
0xb6: {  	_ =	strace $0x9000004B  }
0xb7: {  	_ =	sfence  }
0xb8: {  	s30 =	sld [smem:$0x0];
	_ =	sdelay $0x2  }
0xb9: {  	s31 =	sshll.u32 s1, $0xD;
	s1 =	sshrl.u32 s1, $0x2  }
0xba: {  	s3 =	sand.u32 $0x4000, s31;
	s1 =	sadd.s32 s1, s30  }
0xbb: {  	s0 =	sor.u32 s3, s0;
	s1 =	sshll.u32 s1, $0x11  }
0xbc: {  	s0 =	sor.u32 s1, s0  }
0xbd: {  	s0 =	sadd.s32 $0x8F2B, s0  }
0xbe: {  	[sflag:s0] =	ssyncadd.remote.s32 $0x1  }
0xbf: {  	_ =	sfence.sel $0xFFFF  }
0xc0: {  	[dreg:$0x0] =	wrdreg $0xFFFFFFFF;
	(pc) =	sbr.abs _section_cstart, $3  }
0xc1: {  	[dreg:$0x1] =	wrdreg $0xFFFFFFFF  }
0xc2: {  	_ =	task.clear_ibuf [dreg:s6], $0x2FFFF;
	_ =	strace $0x9FFFFFFF  }
0xc3: {  	(tm) =	ssettm $0x7FFFFFFF  }
tec
execute0_lowered:
.L_overlay_start_1:
0x0: {  	(tag) =	ssettag $0x1  }
0x1: {  	s5 =	rddreg [dreg:$0x0]  }
0x2: {  	s2 =	rddreg [dreg:$0x1]  }
0x3: {  	s0 =	srdreg.scid;
	s9 =	rddreg [dreg:$0x2]  }
0x4: {  	s3 =	simm.s32 $0x0;
	s15 =	simm.s32 $0x4F00;
	s16 =	simm.s32 $0x7700  }
0x5: {  	s17 =	simm.s32 $0x9F00;
	s18 =	simm.s32 $0x80;
	s19 =	simm.s32 $0x100  }
0x6: {  	s20 =	simm.s32 $0x0;
	s4 =	sand.u32 $0x1, s0;
	s0 =	stileid.u32  }
0x7: {  	[smem:$0x7FF] =	sst s3;
	s1 =	sshll.u32 s4, $0x4;
	s10 =	smul.u32 $0x280, s0  }
0x8: {  	s7 =	smul.u32 $0x500, s0;
	s8 =	sshll.u32 s4, $0x7;
	s4 =	ssub.s32 $0x2, s4  }
0x9: {  	s29 =	smul.u32 $0xA000, s0;
	s30 =	sshll.u32 s0, $0x6;
	s1 =	sor.u32 s0, s1  }
0xa: {  	s28 =	sshrl.u32 s4, $0x1;
	s6 =	smul.u32 $0x4E2, s1;
	s1 =	rddreg [dreg:$0x3]  }
0xb: {  	_ =	strace $0x8000004A;
	s26 =	sshrl.u32 s10, $0x3;
	s7 =	sor.u32 s8, s7  }
0xc: {  	s13 =	ssub.s32 s4, s28;
	s14 =	sadd.s32 s10, s2;
	s31 =	sshrl.u32 s29, $0x2  }
0xd: {  	s7 =	sshrl.u32 s7, $0x3;
	s8 =	sadd.s32 s31, s9;
	s9 =	sadd.s32 s10, s9  }
0xe: {  	s11 =	sadd.s32 s6, s5;
	s6 =	sadd.s32 s26, s5;
	s12 =	sadd.s32 s7, s5  }
0xf: {  	s5 =	sor.u32 $0x1C01, s30;
	s4 =	sadd.s32 $0x16200, s6;
	s6 =	sadd.s32 $0xC400, s11  }
0x10: {  	s7 =	sadd.s32 $0x2600, s11;
	s10 =	sadd.s32 $0x16800, s12;
	s11 =	smax.u32 s13, $0x1  }
0x11: {  	v0 =	vimm.f32 $0.0e+00;
	s12 =	sshrl.u32 s14, $0x3;
	s13 =	simm.s32 $0x1;
	s14 =	simm.s32 $0x2780  }
.LBB2_1:
0x12: {  	[spmem:s12], [sflag:s5] =	dma.local [hbm:s4], $0x50  }
0x13: {  	_ =	swait.ge [sflag:s13], $0x50  }
0x14: {  	[sflag:s13] =	ssyncset.done $0x0  }
0x15: {  	[sflag:s13] =	ssyncadd.s32 $0xFFFFFFB0  }
0x16: {  	[tilespmem:s3], [sflag:$0x1] =	stream.linear.gather [hbm4b:s6+s3], $0x2710, $0x38;
	[tilespmem:$0xCC00] =	vst v63  }
0x17: {  	_ =	swait.ge [sflag:s13], $0x2710  }
0x18: {  	[sflag:s13] =	ssyncset.done $0x0  }
0x19: {  	[sflag:s13] =	ssyncadd.s32 $0xFFFFD8F0  }
0x1a: {  	[tilespmem:s14], [sflag:$0x1] =	stream.linear.gather [hbm4b:s7+s3], $0x2710, $0x38;
	[tilespmem:$0xCC00] =	vst v63  }
0x1b: {  	_ =	swait.ge [sflag:s13], $0x2710  }
0x1c: {  	[sflag:s13] =	ssyncset.done $0x0  }
0x1d: {  	s21 =	simm.s32 $0x40;
	s22 =	simm.s32 $0x0;
	[sflag:s13] =	ssyncadd.s32 $0xFFFFD8F0  }
.LBB2_2:
0x1e: {  	p0 =	sne.s32 s21, $0x9FC0;
	[tilespmem:s22+$0x7700] =	vst v0;
	s22 =	smov.u32 s21;
	s21 =	sadd.s32 $0x40, s21  }
.Ltmp0:
0x1f: {  	(pc) =	sbr.rel @p0 .LBB2_2-.Ltmp0, $2  }
0x20: {  	_ =	sdelay $0x2  }
0x21: {  	s22 =	sshra.s32 s22, $0x2  }
0x22: {  	[tilespmem:s22+$0x7700] =	vst v0  }
0x23: {  	[bflag:$0x0] =	sbarrier.arrive $0xFFFF  }
0x24: {  	[tilespmem:s15], [sflag:$0x1] =	stream.linear.gather [spmem:s2], $0x2800, $0x38;
	[tilespmem:$0xCC00] =	vst v63  }
0x25: {  	_ =	swait.ge [sflag:s13], $0x2800  }
0x26: {  	[sflag:s13] =	ssyncset.done $0x0  }
0x27: {  	s22 =	simm.s32 $0x0;
	s21 =	simm.s32 $0x40;
	[sflag:s13] =	ssyncadd.s32 $0xFFFFD800  }
.LBB2_4:
0x28: {  	p0 =	sne.s32 s21, $0x9C00;
	v1 =	vld [tilespmem:s22+$0x0];
	_ =	sdelay $0x5  }
0x29: {  	v2 =	vld [tilespmem:s22+$0x2780];
	_ =	sdelay $0x1  }
0x2a: {  	v1 =	vld.idx.msk [tilespmem:v1+s15+$0x0], $0xffff;
	_ =	sdelay $0x1  }
.Ltmp1:
0x2b: {  	(pc) =	sbr.rel @p0 .LBB2_4-.Ltmp1, $2  }
0x2c: {  	_ =	sdelay $0x2  }
0x2d: {  	s22 =	sshra.s32 s21, $0x2;
	s21 =	sadd.s32 $0x40, s21;
	[tilespmem:v2+s16+$0x0] =	vst.idx.add.f32.msk $0xffff, v1  }
0x2e: {  	v1 =	vld [tilespmem:s22+$0x0];
	_ =	sdelay $0x4  }
0x2f: {  	v2 =	vld [tilespmem:s22+$0x2780];
	_ =	sdelay $0x2  }
0x30: {  	v1 =	vld.idx.msk [tilespmem:v1+s15+$0x0], $0xffff;
	_ =	sdelay $0x4  }
0x31: {  	s21 =	simm.s32 $0x1;
	[tilespmem:v2+s16+$0x0] =	vst.idx.add.f32.msk $0xffff, v1  }
0x32: {  	[spmem:s8] =	stream.linear.scatter [tilespmem:s16], [sflag:$0x1], $0x2800, $0x38;
	[tilespmem:$0xCC00] =	vst v63  }
0x33: {  	_ =	swait.ge [sflag:s21], $0x2800  }
0x34: {  	[sflag:s21] =	ssyncset.done $0x0  }
0x35: {  	[sflag:s21] =	ssyncadd.s32 $0xFFFFD800  }
0x36: {  	[bflag:$0x0] =	sbarrier.arrive $0xFFFF  }
0x37: {  	[tilespmem:s16], [sflag:$0x1] =	stream.linear.gather [spmem:s9], $0x280, $0x38;
	[tilespmem:$0xCC00] =	vst v63  }
0x38: {  	_ =	swait.ge [sflag:s21], $0x280  }
0x39: {  	[sflag:s21] =	ssyncset.done $0x0  }
0x3a: {  	[sflag:s21] =	ssyncadd.s32 $0xFFFFFD80  }
.LBB2_6:
0x3b: {  	s22 =	smul.u32 $0xA000, s21;
	_ =	sdelay $0x1  }
0x3c: {  	s22 =	sshra.s32 s22, $0x2  }
0x3d: {  	s22 =	sadd.s32 s22, s9  }
0x3e: {  	[tilespmem:s17], [sflag:$0x1] =	stream.linear.gather [spmem:s22], $0x280, $0x38;
	[tilespmem:$0xCC00] =	vst v63  }
0x3f: {  	_ =	swait.ge [sflag:s13], $0x280  }
0x40: {  	[sflag:s13] =	ssyncset.done $0x0  }
0x41: {  	s22 =	simm.s32 $0x0;
	[sflag:s13] =	ssyncadd.s32 $0xFFFFFD80  }
0x42: {  	s23 =	simm.s32 $0x40;
	v1 =	vld [tilespmem:s22+$0x9F00]  }
.LBB2_7:
0x43: {  	p0 =	sne.s32 s23, $0x9C0;
	v2 =	vld [tilespmem:s22+$0x7700];
	_ =	sdelay $0x2  }
.Ltmp2:
0x44: {  	(pc) =	sbr.rel @p0 .LBB2_7-.Ltmp2, $4  }
0x45: {  	_ = 	snop  }
0x46: {  	v2 =	vadd.f32 v1, v2  }
0x47: {  	s24 =	sshra.s32 s23, $0x2  }
0x48: {  	s23 =	sadd.s32 $0x40, s23;
	v1 =	vld [tilespmem:s24+$0x9F00];
	[tilespmem:s22+$0x7700] =	vst v2;
	s22 =	smov.u32 s24  }
0x49: {  	v2 =	vld [tilespmem:s22+$0x7700]  }
0x4a: {  	s21 =	sadd.s32 $0x1, s21  }
0x4b: {  	p0 =	sne.s32 s21, $0x10  }
.Ltmp3:
0x4c: {  	_ = 	snop;
	(pc) =	sbr.rel @p0 .LBB2_6-.Ltmp3, $3  }
0x4d: {  	_ = 	snop  }
0x4e: {  	v1 =	vadd.f32 v1, v2;
	_ =	sdelay $0x1  }
0x4f: {  	[tilespmem:s22+$0x7700] =	vst v1  }
0x50: {  	s20 =	sadd.s32 $0x1, s20  }
0x51: {  	p0 =	sne.s32 s20, s11  }
.Ltmp4:
0x52: {  	_ = 	snop;
	(pc) =	sbr.rel @p0 .LBB2_1-.Ltmp4, $4  }
0x53: {  	[hbm4b:s10+s18] =	stream.strided.scatter [tilespmem:s16], [sflag:$0x1], $0x280, s19, s18, $0x38;
	[tilespmem:$0xCC00] =	vst v63  }
0x54: {  	_ =	swait.ge [sflag:s13], $0x280  }
0x55: {  	[sflag:s13] =	ssyncset.done $0x0  }
0x56: {  	[sflag:s13] =	ssyncadd.s32 $0xFFFFFD80  }
0x57: {  	_ =	sfence.sel $0x180000  }
0x58: {  	[bflag:$0x0] =	sbarrier.arrive $0xFFFF  }
0x59: {  	p0 =	sne.s32 s0, $0x0;
	_ =	strace $0x9000004A  }
0x5a: {  	s0 =	sadd.s32 @!p0 $0x100000, s1;
	[bflag:$0x2] =	sbarrier.arrive $0xFFFF  }
0x5b: {  	[sflag:s0] =	ssyncadd.tile.s32 @!p0 $0x1;
	_ =	shalt  }
.Lfunc_end2:
_tile_overlayer_lowered:
.L_overlay_start_2:
0x5c: {  	(tag) =	ssettag $0x2  }
0x5d: {  	s0 =	rddreg [dreg:$0x0];
	s2 =	stileid.u32  }
0x5e: {  	s1 =	rddreg [dreg:$0x1];
	p0 =	sne.s32 s2, $0x0  }
0x5f: {  	s3 =	rddreg [dreg:$0x2];
	[bflag:$0x3] =	sbarrier.arrive $0xFFFF;
	s2 =	simm.s32 @!p0 $0x1C01  }
0x60: {  	[timem:s3], [sflag:s2] =	dma.local @!p0 [hbm:s0], s1  }
0x61: {  	s0 =	simm.s32 @!p0 $0x1  }
0x62: {  	_ =	swait.ge @!p0 [sflag:s0], s1  }
0x63: {  	s1 =	ssub.s32 @!p0 $0x0, s1;
	[sflag:s0] =	ssyncset.done @!p0 $0x0  }
0x64: {  	[sflag:s0] =	ssyncadd.s32 @!p0 s1  }
0x65: {  	[bflag:$0x3] =	sbarrier.arrive $0xFFFF  }
0x66: {  	_ =	shalt  }

</sc_bundles>
